<compile_context>
chip_gen: v7x
topology: tpu7x:2x2x1
jax: 0.10.2.dev20260603
libtpu: 0.0.44.dev20260713+nightly
codegen_flags: <defaults>
</compile_context>

<pallas_src>
import functools

import jax
import jax.numpy as jnp
from jax import lax
from jax.experimental import pallas as pl
from jax.experimental.pallas import tpu as pltpu
import jax.experimental.pallas.tpu_sc as plsc

N = 10000
D = 128
E = 320000
NC = 2
NS = 16
NW = NC * NS
EPW = E // NW
CHUNK = 128
NCH = -(-EPW // CHUNK)
EPWP = NCH * CHUNK
NACC = 10240
RPT = NACC // NS
ZCH = RPT // CHUNK
JUNK = N + 16


def _sc_mesh():
    return plsc.VectorSubcoreMesh(core_axis_name="c", subcore_axis_name="s")


def _deg_pass(dst_flat):
    @functools.partial(
        pl.kernel,
        out_type=jax.ShapeDtypeStruct((NC * NACC,), jnp.float32),
        mesh=_sc_mesh(),
        scratch_types=[
            pltpu.VMEM((CHUNK,), jnp.int32),
            pltpu.VMEM((CHUNK,), jnp.float32),
            pltpu.VMEM((CHUNK,), jnp.float32),
            pltpu.VMEM_SHARED((NACC,), jnp.float32),
        ],
    )
    def deg_kernel(dst_hbm, out_hbm, dstv, onev, zerov, dacc):
        c = lax.axis_index("c")
        s = lax.axis_index("s")
        w = c * NS + s
        for j in range(CHUNK // 16):
            onev[pl.ds(j * 16, 16)] = jnp.ones((16,), jnp.float32)
            zerov[pl.ds(j * 16, 16)] = jnp.zeros((16,), jnp.float32)
        for i in range(ZCH):
            pltpu.sync_copy(zerov, dacc.at[pl.ds(s * RPT + i * CHUNK, CHUNK)])
        plsc.subcore_barrier()
        ebase = w * EPWP

        def body(k, carry):
            b = ebase + k * CHUNK
            pltpu.sync_copy(dst_hbm.at[pl.ds(b, CHUNK)], dstv)
            pltpu.sync_copy(onev, dacc.at[dstv], add=True)
            return carry

        lax.fori_loop(0, NCH, body, 0)
        plsc.subcore_barrier()
        pltpu.sync_copy(dacc.at[pl.ds(s * RPT, RPT)],
                        out_hbm.at[pl.ds(c * NACC + s * RPT, RPT)])

    return deg_kernel(dst_flat)


def _edge_pass(g, src_flat, dst_flat):
    @functools.partial(
        pl.kernel,
        out_type=jax.ShapeDtypeStruct((NC * NACC, D), jnp.float32),
        mesh=_sc_mesh(),
        scratch_types=[
            pltpu.VMEM((CHUNK,), jnp.int32),
            pltpu.VMEM((CHUNK,), jnp.int32),
            pltpu.VMEM((CHUNK, D), jnp.float32),
            pltpu.VMEM_SHARED((NACC, D), jnp.float32),
            pltpu.SemaphoreType.DMA,
        ],
    )
    def edge_kernel(g_hbm, src_hbm, dst_hbm, out_hbm, srcv, dstv, rows, acc,
                    gsem):
        c = lax.axis_index("c")
        s = lax.axis_index("s")
        w = c * NS + s

        def zero_row(r, carry):
            for j in range(D // 16):
                rows[r, pl.ds(j * 16, 16)] = jnp.zeros((16,), jnp.float32)
            return carry

        lax.fori_loop(0, CHUNK, zero_row, 0)
        for i in range(ZCH):
            pltpu.sync_copy(rows, acc.at[pl.ds(s * RPT + i * CHUNK, CHUNK)])
        plsc.subcore_barrier()
        ebase = w * EPWP

        def body(k, carry):
            b = ebase + k * CHUNK
            pltpu.sync_copy(src_hbm.at[pl.ds(b, CHUNK)], srcv)
            pltpu.sync_copy(dst_hbm.at[pl.ds(b, CHUNK)], dstv)
            pltpu.async_copy(g_hbm.at[srcv], rows, gsem).wait()
            pltpu.sync_copy(rows, acc.at[dstv], add=True)
            return carry

        lax.fori_loop(0, NCH, body, 0)
        plsc.subcore_barrier()
        pltpu.sync_copy(acc.at[pl.ds(s * RPT, RPT)],
                        out_hbm.at[pl.ds(c * NACC + s * RPT, RPT)])

    return edge_kernel(g, src_flat, dst_flat)


def _tc1_body(x_ref, w_ref, dinv_ref, g_ref):
    h = jnp.dot(x_ref[...], w_ref[...], preferred_element_type=jnp.float32)
    g_ref[...] = h * dinv_ref[...]


def _tc2_body(acc_ref, g_ref, dinv_ref, b_ref, w_ref, o_ref):
    accsum = acc_ref[0:N, :] + acc_ref[NACC:NACC + N, :]
    hf = jax.nn.relu((accsum + g_ref[...]) * dinv_ref[...] + b_ref[...])
    h2 = jnp.dot(hf, w_ref[...], preferred_element_type=jnp.float32)
    o_ref[...] = h2 * dinv_ref[...]


def _tc3_body(acc_ref, g_ref, dinv_ref, b_ref, wo_ref, bo_ref, o_ref):
    accsum = acc_ref[0:N, :] + acc_ref[NACC:NACC + N, :]
    hf = jax.nn.relu((accsum + g_ref[...]) * dinv_ref[...] + b_ref[...])
    z = jnp.dot(hf, wo_ref[...], preferred_element_type=jnp.float32)
    o_ref[...] = jax.nn.sigmoid(z + bo_ref[...])


def kernel(x, edge_index, W1, b1, W2, b2, Wo, bo):
    ei = edge_index.astype(jnp.int32)
    pad = ((0, 0), (0, EPWP - EPW))
    src_flat = jnp.pad(ei[0].reshape(NW, EPW), pad).reshape(NW * EPWP)
    dst_flat = jnp.pad(ei[1].reshape(NW, EPW), pad,
                       constant_values=JUNK).reshape(NW * EPWP)

    deg2 = _deg_pass(dst_flat)
    deg = deg2[:N] + deg2[NACC:NACC + N] + 1.0
    dinv = lax.rsqrt(deg)[:, None]

    g1 = pl.pallas_call(
        _tc1_body,
        out_shape=jax.ShapeDtypeStruct((N, D), jnp.float32),
    )(x, W1, dinv)

    acc1 = _edge_pass(g1, src_flat, dst_flat)

    g2 = pl.pallas_call(
        _tc2_body,
        out_shape=jax.ShapeDtypeStruct((N, D), jnp.float32),
    )(acc1, g1, dinv, b1.reshape(1, D), W2)

    acc2 = _edge_pass(g2, src_flat, dst_flat)

    out = pl.pallas_call(
        _tc3_body,
        out_shape=jax.ShapeDtypeStruct((N, 1), jnp.float32),
    )(acc2, g2, dinv, b2.reshape(1, D), Wo, bo.reshape(1, 1))
    return out

# --- scband reference (transcript-rebuilt; emitter-appended) ---
"""Pipeline reference for scband-gcn-29609504539480 (READ-ONLY COPY).

The authoritative reference and input builder live on the scoring server;
editing this copy changes nothing except your own understanding.
"""

import jax, jax.numpy as jnp
import numpy as np

NUM_NODES = 10000
D_FEAT = 128
HIDDEN = 128
NUM_EDGES = 320000


def gcn_conv(x, edge_index, W, b):
    num_nodes = x.shape[0]
    src = edge_index[0]
    dst = edge_index[1]
    # add self loops
    loop = jnp.arange(num_nodes, dtype=edge_index.dtype)
    src = jnp.concatenate([src, loop])
    dst = jnp.concatenate([dst, loop])
    # symmetric normalization D^{-1/2} (A+I) D^{-1/2}
    deg = jnp.zeros((num_nodes,), dtype=x.dtype).at[dst].add(1.0)
    dinv = jnp.where(deg > 0, deg ** -0.5, 0.0)
    norm = dinv[src] * dinv[dst]
    h = x @ W
    msg = h[src] * norm[:, None]
    out = jax.ops.segment_sum(msg, dst, num_segments=num_nodes)
    return out + b


def setup_inputs(seed: int = 0) -> dict:
    key = jax.random.key(seed)
    k = jax.random.split(key, 8)
    x = jax.random.normal(k[0], (NUM_NODES, D_FEAT), dtype=jnp.float32)
    edge_index = jax.random.randint(k[1], (2, NUM_EDGES), 0, NUM_NODES, dtype=jnp.int64)
    s1 = 1.0 / np.sqrt(D_FEAT)
    s2 = 1.0 / np.sqrt(HIDDEN)
    W1 = jax.random.uniform(k[2], (D_FEAT, HIDDEN), jnp.float32, -s1, s1)
    b1 = jnp.zeros((HIDDEN,), dtype=jnp.float32)
    W2 = jax.random.uniform(k[3], (HIDDEN, HIDDEN), jnp.float32, -s2, s2)
    b2 = jnp.zeros((HIDDEN,), dtype=jnp.float32)
    Wo = jax.random.uniform(k[4], (HIDDEN, 1), jnp.float32, -s2, s2)
    bo = jnp.zeros((1,), dtype=jnp.float32)
    return {"x": x, "edge_index": edge_index, "W1": W1, "b1": b1, "W2": W2, "b2": b2, "Wo": Wo, "bo": bo}


def reference(x, edge_index, W1, b1, W2, b2, Wo, bo):
    h = jax.nn.relu(gcn_conv(x, edge_index, W1, b1))
    h = jax.nn.relu(gcn_conv(h, edge_index, W2, b2))
    out = jax.nn.sigmoid(h @ Wo + bo)
    return out

if __name__ == "__main__":
    import jax
    _d = setup_inputs()
    print(jax.jit(kernel)(*tuple(_d.values())))

</pallas_src>

<mosaic_0001>
#map = affine_map<(d0, d1) -> (0)>
module attributes {stable_mosaic.version = 14 : i64} {
  func.func @deg_kernel(%arg0: i32, %arg1: i32, %arg2: memref<323584xi32, #tpu.memory_space<hbm>>, %arg3: memref<20480xf32, #tpu.memory_space<hbm>>, %arg4: memref<128xi32, #tpu.memory_space<vmem>>, %arg5: memref<128xf32, #tpu.memory_space<vmem>>, %arg6: memref<128xf32, #tpu.memory_space<vmem>>, %arg7: memref<10240xf32, #tpu.memory_space<vmem_shared>>) attributes {dimension_semantics = [#tpu.dimension_semantics<core_parallel>, #tpu.dimension_semantics<subcore_parallel>], iteration_bounds = array<i64: 2, 16>, scalar_prefetch = 0 : i64, scratch_operands = 4 : i64, tpu.core_type = #tpu.core_type<sc_vector_subcore>, window_params = [{transform_indices = #map}, {transform_indices = #map}]} {
    %mul3A = arith.constant 16 : i32
    %mul3A_0 = arith.muli %arg0, %mul3A : i32
    %add3A = arith.addi %mul3A_0, %arg1 : i32
    %broadcast_in_dim3A = arith.constant 1.000000e+00 : f32
    %broadcast_in_dim3A_1 = vector.broadcast %broadcast_in_dim3A : f32 to vector<16xf32>
    %swap3A = arith.constant 0 : index
    %swap3A_2 = tpu.vector_load %arg5[%swap3A] {strides = array<i32>} : memref<128xf32, #tpu.memory_space<vmem>>, vector<16xf32>,
    %swap3A_3 = vector.shape_cast %swap3A_2 : vector<16xf32> to vector<16xf32>
    %swap3A_4 = vector.shape_cast %broadcast_in_dim3A_1 : vector<16xf32> to vector<16xf32>
    tpu.vector_store %arg5[%swap3A], %swap3A_4 {strides = array<i32>} : memref<128xf32, #tpu.memory_space<vmem>>, vector<16xf32>,
    %broadcast_in_dim3A_5 = arith.constant 0.000000e+00 : f32
    %broadcast_in_dim3A_6 = vector.broadcast %broadcast_in_dim3A_5 : f32 to vector<16xf32>
    %swap3A_7 = arith.constant 0 : index
    %swap3A_8 = tpu.vector_load %arg6[%swap3A_7] {strides = array<i32>} : memref<128xf32, #tpu.memory_space<vmem>>, vector<16xf32>,
    %swap3A_9 = vector.shape_cast %swap3A_8 : vector<16xf32> to vector<16xf32>
    %swap3A_10 = vector.shape_cast %broadcast_in_dim3A_6 : vector<16xf32> to vector<16xf32>
    tpu.vector_store %arg6[%swap3A_7], %swap3A_10 {strides = array<i32>} : memref<128xf32, #tpu.memory_space<vmem>>, vector<16xf32>,
    %broadcast_in_dim3A_11 = arith.constant 1.000000e+00 : f32
    %broadcast_in_dim3A_12 = vector.broadcast %broadcast_in_dim3A_11 : f32 to vector<16xf32>
    %swap3A_13 = arith.constant 16 : index
    %swap3A_14 = tpu.vector_load %arg5[%swap3A_13] {strides = array<i32>} : memref<128xf32, #tpu.memory_space<vmem>>, vector<16xf32>,
    %swap3A_15 = vector.shape_cast %swap3A_14 : vector<16xf32> to vector<16xf32>
    %swap3A_16 = vector.shape_cast %broadcast_in_dim3A_12 : vector<16xf32> to vector<16xf32>
    tpu.vector_store %arg5[%swap3A_13], %swap3A_16 {strides = array<i32>} : memref<128xf32, #tpu.memory_space<vmem>>, vector<16xf32>,
    %broadcast_in_dim3A_17 = arith.constant 0.000000e+00 : f32
    %broadcast_in_dim3A_18 = vector.broadcast %broadcast_in_dim3A_17 : f32 to vector<16xf32>
    %swap3A_19 = arith.constant 16 : index
    %swap3A_20 = tpu.vector_load %arg6[%swap3A_19] {strides = array<i32>} : memref<128xf32, #tpu.memory_space<vmem>>, vector<16xf32>,
    %swap3A_21 = vector.shape_cast %swap3A_20 : vector<16xf32> to vector<16xf32>
    %swap3A_22 = vector.shape_cast %broadcast_in_dim3A_18 : vector<16xf32> to vector<16xf32>
    tpu.vector_store %arg6[%swap3A_19], %swap3A_22 {strides = array<i32>} : memref<128xf32, #tpu.memory_space<vmem>>, vector<16xf32>,
    %broadcast_in_dim3A_23 = arith.constant 1.000000e+00 : f32
    %broadcast_in_dim3A_24 = vector.broadcast %broadcast_in_dim3A_23 : f32 to vector<16xf32>
    %swap3A_25 = arith.constant 32 : index
    %swap3A_26 = tpu.vector_load %arg5[%swap3A_25] {strides = array<i32>} : memref<128xf32, #tpu.memory_space<vmem>>, vector<16xf32>,
    %swap3A_27 = vector.shape_cast %swap3A_26 : vector<16xf32> to vector<16xf32>
    %swap3A_28 = vector.shape_cast %broadcast_in_dim3A_24 : vector<16xf32> to vector<16xf32>
    tpu.vector_store %arg5[%swap3A_25], %swap3A_28 {strides = array<i32>} : memref<128xf32, #tpu.memory_space<vmem>>, vector<16xf32>,
    %broadcast_in_dim3A_29 = arith.constant 0.000000e+00 : f32
    %broadcast_in_dim3A_30 = vector.broadcast %broadcast_in_dim3A_29 : f32 to vector<16xf32>
    %swap3A_31 = arith.constant 32 : index
    %swap3A_32 = tpu.vector_load %arg6[%swap3A_31] {strides = array<i32>} : memref<128xf32, #tpu.memory_space<vmem>>, vector<16xf32>,
    %swap3A_33 = vector.shape_cast %swap3A_32 : vector<16xf32> to vector<16xf32>
    %swap3A_34 = vector.shape_cast %broadcast_in_dim3A_30 : vector<16xf32> to vector<16xf32>
    tpu.vector_store %arg6[%swap3A_31], %swap3A_34 {strides = array<i32>} : memref<128xf32, #tpu.memory_space<vmem>>, vector<16xf32>,
    %broadcast_in_dim3A_35 = arith.constant 1.000000e+00 : f32
    %broadcast_in_dim3A_36 = vector.broadcast %broadcast_in_dim3A_35 : f32 to vector<16xf32>
    %swap3A_37 = arith.constant 48 : index
    %swap3A_38 = tpu.vector_load %arg5[%swap3A_37] {strides = array<i32>} : memref<128xf32, #tpu.memory_space<vmem>>, vector<16xf32>,
    %swap3A_39 = vector.shape_cast %swap3A_38 : vector<16xf32> to vector<16xf32>
    %swap3A_40 = vector.shape_cast %broadcast_in_dim3A_36 : vector<16xf32> to vector<16xf32>
    tpu.vector_store %arg5[%swap3A_37], %swap3A_40 {strides = array<i32>} : memref<128xf32, #tpu.memory_space<vmem>>, vector<16xf32>,
    %broadcast_in_dim3A_41 = arith.constant 0.000000e+00 : f32
    %broadcast_in_dim3A_42 = vector.broadcast %broadcast_in_dim3A_41 : f32 to vector<16xf32>
    %swap3A_43 = arith.constant 48 : index
    %swap3A_44 = tpu.vector_load %arg6[%swap3A_43] {strides = array<i32>} : memref<128xf32, #tpu.memory_space<vmem>>, vector<16xf32>,
    %swap3A_45 = vector.shape_cast %swap3A_44 : vector<16xf32> to vector<16xf32>
    %swap3A_46 = vector.shape_cast %broadcast_in_dim3A_42 : vector<16xf32> to vector<16xf32>
    tpu.vector_store %arg6[%swap3A_43], %swap3A_46 {strides = array<i32>} : memref<128xf32, #tpu.memory_space<vmem>>, vector<16xf32>,
    %broadcast_in_dim3A_47 = arith.constant 1.000000e+00 : f32
    %broadcast_in_dim3A_48 = vector.broadcast %broadcast_in_dim3A_47 : f32 to vector<16xf32>
    %swap3A_49 = arith.constant 64 : index
    %swap3A_50 = tpu.vector_load %arg5[%swap3A_49] {strides = array<i32>} : memref<128xf32, #tpu.memory_space<vmem>>, vector<16xf32>,
    %swap3A_51 = vector.shape_cast %swap3A_50 : vector<16xf32> to vector<16xf32>
    %swap3A_52 = vector.shape_cast %broadcast_in_dim3A_48 : vector<16xf32> to vector<16xf32>
    tpu.vector_store %arg5[%swap3A_49], %swap3A_52 {strides = array<i32>} : memref<128xf32, #tpu.memory_space<vmem>>, vector<16xf32>,
    %broadcast_in_dim3A_53 = arith.constant 0.000000e+00 : f32
    %broadcast_in_dim3A_54 = vector.broadcast %broadcast_in_dim3A_53 : f32 to vector<16xf32>
    %swap3A_55 = arith.constant 64 : index
    %swap3A_56 = tpu.vector_load %arg6[%swap3A_55] {strides = array<i32>} : memref<128xf32, #tpu.memory_space<vmem>>, vector<16xf32>,
    %swap3A_57 = vector.shape_cast %swap3A_56 : vector<16xf32> to vector<16xf32>
    %swap3A_58 = vector.shape_cast %broadcast_in_dim3A_54 : vector<16xf32> to vector<16xf32>
    tpu.vector_store %arg6[%swap3A_55], %swap3A_58 {strides = array<i32>} : memref<128xf32, #tpu.memory_space<vmem>>, vector<16xf32>,
    %broadcast_in_dim3A_59 = arith.constant 1.000000e+00 : f32
    %broadcast_in_dim3A_60 = vector.broadcast %broadcast_in_dim3A_59 : f32 to vector<16xf32>
    %swap3A_61 = arith.constant 80 : index
    %swap3A_62 = tpu.vector_load %arg5[%swap3A_61] {strides = array<i32>} : memref<128xf32, #tpu.memory_space<vmem>>, vector<16xf32>,
    %swap3A_63 = vector.shape_cast %swap3A_62 : vector<16xf32> to vector<16xf32>
    %swap3A_64 = vector.shape_cast %broadcast_in_dim3A_60 : vector<16xf32> to vector<16xf32>
    tpu.vector_store %arg5[%swap3A_61], %swap3A_64 {strides = array<i32>} : memref<128xf32, #tpu.memory_space<vmem>>, vector<16xf32>,
    %broadcast_in_dim3A_65 = arith.constant 0.000000e+00 : f32
    %broadcast_in_dim3A_66 = vector.broadcast %broadcast_in_dim3A_65 : f32 to vector<16xf32>
    %swap3A_67 = arith.constant 80 : index
    %swap3A_68 = tpu.vector_load %arg6[%swap3A_67] {strides = array<i32>} : memref<128xf32, #tpu.memory_space<vmem>>, vector<16xf32>,
    %swap3A_69 = vector.shape_cast %swap3A_68 : vector<16xf32> to vector<16xf32>
    %swap3A_70 = vector.shape_cast %broadcast_in_dim3A_66 : vector<16xf32> to vector<16xf32>
    tpu.vector_store %arg6[%swap3A_67], %swap3A_70 {strides = array<i32>} : memref<128xf32, #tpu.memory_space<vmem>>, vector<16xf32>,
    %broadcast_in_dim3A_71 = arith.constant 1.000000e+00 : f32
    %broadcast_in_dim3A_72 = vector.broadcast %broadcast_in_dim3A_71 : f32 to vector<16xf32>
    %swap3A_73 = arith.constant 96 : index
    %swap3A_74 = tpu.vector_load %arg5[%swap3A_73] {strides = array<i32>} : memref<128xf32, #tpu.memory_space<vmem>>, vector<16xf32>,
    %swap3A_75 = vector.shape_cast %swap3A_74 : vector<16xf32> to vector<16xf32>
    %swap3A_76 = vector.shape_cast %broadcast_in_dim3A_72 : vector<16xf32> to vector<16xf32>
    tpu.vector_store %arg5[%swap3A_73], %swap3A_76 {strides = array<i32>} : memref<128xf32, #tpu.memory_space<vmem>>, vector<16xf32>,
    %broadcast_in_dim3A_77 = arith.constant 0.000000e+00 : f32
    %broadcast_in_dim3A_78 = vector.broadcast %broadcast_in_dim3A_77 : f32 to vector<16xf32>
    %swap3A_79 = arith.constant 96 : index
    %swap3A_80 = tpu.vector_load %arg6[%swap3A_79] {strides = array<i32>} : memref<128xf32, #tpu.memory_space<vmem>>, vector<16xf32>,
    %swap3A_81 = vector.shape_cast %swap3A_80 : vector<16xf32> to vector<16xf32>
    %swap3A_82 = vector.shape_cast %broadcast_in_dim3A_78 : vector<16xf32> to vector<16xf32>
    tpu.vector_store %arg6[%swap3A_79], %swap3A_82 {strides = array<i32>} : memref<128xf32, #tpu.memory_space<vmem>>, vector<16xf32>,
    %broadcast_in_dim3A_83 = arith.constant 1.000000e+00 : f32
    %broadcast_in_dim3A_84 = vector.broadcast %broadcast_in_dim3A_83 : f32 to vector<16xf32>
    %swap3A_85 = arith.constant 112 : index
    %swap3A_86 = tpu.vector_load %arg5[%swap3A_85] {strides = array<i32>} : memref<128xf32, #tpu.memory_space<vmem>>, vector<16xf32>,
    %swap3A_87 = vector.shape_cast %swap3A_86 : vector<16xf32> to vector<16xf32>
    %swap3A_88 = vector.shape_cast %broadcast_in_dim3A_84 : vector<16xf32> to vector<16xf32>
    tpu.vector_store %arg5[%swap3A_85], %swap3A_88 {strides = array<i32>} : memref<128xf32, #tpu.memory_space<vmem>>, vector<16xf32>,
    %broadcast_in_dim3A_89 = arith.constant 0.000000e+00 : f32
    %broadcast_in_dim3A_90 = vector.broadcast %broadcast_in_dim3A_89 : f32 to vector<16xf32>
    %swap3A_91 = arith.constant 112 : index
    %swap3A_92 = tpu.vector_load %arg6[%swap3A_91] {strides = array<i32>} : memref<128xf32, #tpu.memory_space<vmem>>, vector<16xf32>,
    %swap3A_93 = vector.shape_cast %swap3A_92 : vector<16xf32> to vector<16xf32>
    %swap3A_94 = vector.shape_cast %broadcast_in_dim3A_90 : vector<16xf32> to vector<16xf32>
    tpu.vector_store %arg6[%swap3A_91], %swap3A_94 {strides = array<i32>} : memref<128xf32, #tpu.memory_space<vmem>>, vector<16xf32>,
    %mul3A_95 = arith.constant 640 : i32
    %mul3A_96 = arith.muli %arg1, %mul3A_95 : i32
    %add3A_97 = arith.constant 0 : i32
    %add3A_98 = arith.addi %mul3A_96, %add3A_97 : i32
    "tpu.region"() ({
      %run_scoped3A = tpu.sem_alloc : memref<!tpu.dma_semaphore, #tpu.memory_space<semaphore_mem>>
      %dma_start3A = tpu.memref_slice %arg7[%add3A_98] : memref<10240xf32, #tpu.memory_space<vmem_shared>> -> memref<128xf32, #tpu.memory_space<vmem_shared>>
      %dma_start3A_130 = tpu.memref_slice %arg7[%add3A_98] : memref<10240xf32, #tpu.memory_space<vmem_shared>> -> memref<128xf32, #tpu.memory_space<vmem_shared>>
      tpu.enqueue_dma source(%arg6 : memref<128xf32, #tpu.memory_space<vmem>>) target(%dma_start3A_130 : memref<128xf32, #tpu.memory_space<vmem_shared>>) target_semaphore(%run_scoped3A : memref<!tpu.dma_semaphore, #tpu.memory_space<semaphore_mem>>)
      %dma_wait3A = tpu.memref_slice %arg7[%add3A_98] : memref<10240xf32, #tpu.memory_space<vmem_shared>> -> memref<128xf32, #tpu.memory_space<vmem_shared>>
      %dma_wait3A_131 = tpu.memref_slice %arg7[%add3A_98] : memref<10240xf32, #tpu.memory_space<vmem_shared>> -> memref<128xf32, #tpu.memory_space<vmem_shared>>
      tpu.wait_dma2 semaphore(%run_scoped3A : memref<!tpu.dma_semaphore, #tpu.memory_space<semaphore_mem>>) src(%arg6 : memref<128xf32, #tpu.memory_space<vmem>>) dst(%dma_wait3A_131 : memref<128xf32, #tpu.memory_space<vmem_shared>>)
      tpu.yield
    }) : () -> ()
    %mul3A_99 = arith.constant 640 : i32
    %mul3A_100 = arith.muli %arg1, %mul3A_99 : i32
    %add3A_101 = arith.constant 128 : i32
    %add3A_102 = arith.addi %mul3A_100, %add3A_101 : i32
    "tpu.region"() ({
      %run_scoped3A = tpu.sem_alloc : memref<!tpu.dma_semaphore, #tpu.memory_space<semaphore_mem>>
      %dma_start3A = tpu.memref_slice %arg7[%add3A_102] : memref<10240xf32, #tpu.memory_space<vmem_shared>> -> memref<128xf32, #tpu.memory_space<vmem_shared>>
      %dma_start3A_130 = tpu.memref_slice %arg7[%add3A_102] : memref<10240xf32, #tpu.memory_space<vmem_shared>> -> memref<128xf32, #tpu.memory_space<vmem_shared>>
      tpu.enqueue_dma source(%arg6 : memref<128xf32, #tpu.memory_space<vmem>>) target(%dma_start3A_130 : memref<128xf32, #tpu.memory_space<vmem_shared>>) target_semaphore(%run_scoped3A : memref<!tpu.dma_semaphore, #tpu.memory_space<semaphore_mem>>)
      %dma_wait3A = tpu.memref_slice %arg7[%add3A_102] : memref<10240xf32, #tpu.memory_space<vmem_shared>> -> memref<128xf32, #tpu.memory_space<vmem_shared>>
      %dma_wait3A_131 = tpu.memref_slice %arg7[%add3A_102] : memref<10240xf32, #tpu.memory_space<vmem_shared>> -> memref<128xf32, #tpu.memory_space<vmem_shared>>
      tpu.wait_dma2 semaphore(%run_scoped3A : memref<!tpu.dma_semaphore, #tpu.memory_space<semaphore_mem>>) src(%arg6 : memref<128xf32, #tpu.memory_space<vmem>>) dst(%dma_wait3A_131 : memref<128xf32, #tpu.memory_space<vmem_shared>>)
      tpu.yield
    }) : () -> ()
    %mul3A_103 = arith.constant 640 : i32
    %mul3A_104 = arith.muli %arg1, %mul3A_103 : i32
    %add3A_105 = arith.constant 256 : i32
    %add3A_106 = arith.addi %mul3A_104, %add3A_105 : i32
    "tpu.region"() ({
      %run_scoped3A = tpu.sem_alloc : memref<!tpu.dma_semaphore, #tpu.memory_space<semaphore_mem>>
      %dma_start3A = tpu.memref_slice %arg7[%add3A_106] : memref<10240xf32, #tpu.memory_space<vmem_shared>> -> memref<128xf32, #tpu.memory_space<vmem_shared>>
      %dma_start3A_130 = tpu.memref_slice %arg7[%add3A_106] : memref<10240xf32, #tpu.memory_space<vmem_shared>> -> memref<128xf32, #tpu.memory_space<vmem_shared>>
      tpu.enqueue_dma source(%arg6 : memref<128xf32, #tpu.memory_space<vmem>>) target(%dma_start3A_130 : memref<128xf32, #tpu.memory_space<vmem_shared>>) target_semaphore(%run_scoped3A : memref<!tpu.dma_semaphore, #tpu.memory_space<semaphore_mem>>)
      %dma_wait3A = tpu.memref_slice %arg7[%add3A_106] : memref<10240xf32, #tpu.memory_space<vmem_shared>> -> memref<128xf32, #tpu.memory_space<vmem_shared>>
      %dma_wait3A_131 = tpu.memref_slice %arg7[%add3A_106] : memref<10240xf32, #tpu.memory_space<vmem_shared>> -> memref<128xf32, #tpu.memory_space<vmem_shared>>
      tpu.wait_dma2 semaphore(%run_scoped3A : memref<!tpu.dma_semaphore, #tpu.memory_space<semaphore_mem>>) src(%arg6 : memref<128xf32, #tpu.memory_space<vmem>>) dst(%dma_wait3A_131 : memref<128xf32, #tpu.memory_space<vmem_shared>>)
      tpu.yield
    }) : () -> ()
    %mul3A_107 = arith.constant 640 : i32
    %mul3A_108 = arith.muli %arg1, %mul3A_107 : i32
    %add3A_109 = arith.constant 384 : i32
    %add3A_110 = arith.addi %mul3A_108, %add3A_109 : i32
    "tpu.region"() ({
      %run_scoped3A = tpu.sem_alloc : memref<!tpu.dma_semaphore, #tpu.memory_space<semaphore_mem>>
      %dma_start3A = tpu.memref_slice %arg7[%add3A_110] : memref<10240xf32, #tpu.memory_space<vmem_shared>> -> memref<128xf32, #tpu.memory_space<vmem_shared>>
      %dma_start3A_130 = tpu.memref_slice %arg7[%add3A_110] : memref<10240xf32, #tpu.memory_space<vmem_shared>> -> memref<128xf32, #tpu.memory_space<vmem_shared>>
      tpu.enqueue_dma source(%arg6 : memref<128xf32, #tpu.memory_space<vmem>>) target(%dma_start3A_130 : memref<128xf32, #tpu.memory_space<vmem_shared>>) target_semaphore(%run_scoped3A : memref<!tpu.dma_semaphore, #tpu.memory_space<semaphore_mem>>)
      %dma_wait3A = tpu.memref_slice %arg7[%add3A_110] : memref<10240xf32, #tpu.memory_space<vmem_shared>> -> memref<128xf32, #tpu.memory_space<vmem_shared>>
      %dma_wait3A_131 = tpu.memref_slice %arg7[%add3A_110] : memref<10240xf32, #tpu.memory_space<vmem_shared>> -> memref<128xf32, #tpu.memory_space<vmem_shared>>
      tpu.wait_dma2 semaphore(%run_scoped3A : memref<!tpu.dma_semaphore, #tpu.memory_space<semaphore_mem>>) src(%arg6 : memref<128xf32, #tpu.memory_space<vmem>>) dst(%dma_wait3A_131 : memref<128xf32, #tpu.memory_space<vmem_shared>>)
      tpu.yield
    }) : () -> ()
    %mul3A_111 = arith.constant 640 : i32
    %mul3A_112 = arith.muli %arg1, %mul3A_111 : i32
    %add3A_113 = arith.constant 512 : i32
    %add3A_114 = arith.addi %mul3A_112, %add3A_113 : i32
    "tpu.region"() ({
      %run_scoped3A = tpu.sem_alloc : memref<!tpu.dma_semaphore, #tpu.memory_space<semaphore_mem>>
      %dma_start3A = tpu.memref_slice %arg7[%add3A_114] : memref<10240xf32, #tpu.memory_space<vmem_shared>> -> memref<128xf32, #tpu.memory_space<vmem_shared>>
      %dma_start3A_130 = tpu.memref_slice %arg7[%add3A_114] : memref<10240xf32, #tpu.memory_space<vmem_shared>> -> memref<128xf32, #tpu.memory_space<vmem_shared>>
      tpu.enqueue_dma source(%arg6 : memref<128xf32, #tpu.memory_space<vmem>>) target(%dma_start3A_130 : memref<128xf32, #tpu.memory_space<vmem_shared>>) target_semaphore(%run_scoped3A : memref<!tpu.dma_semaphore, #tpu.memory_space<semaphore_mem>>)
      %dma_wait3A = tpu.memref_slice %arg7[%add3A_114] : memref<10240xf32, #tpu.memory_space<vmem_shared>> -> memref<128xf32, #tpu.memory_space<vmem_shared>>
      %dma_wait3A_131 = tpu.memref_slice %arg7[%add3A_114] : memref<10240xf32, #tpu.memory_space<vmem_shared>> -> memref<128xf32, #tpu.memory_space<vmem_shared>>
      tpu.wait_dma2 semaphore(%run_scoped3A : memref<!tpu.dma_semaphore, #tpu.memory_space<semaphore_mem>>) src(%arg6 : memref<128xf32, #tpu.memory_space<vmem>>) dst(%dma_wait3A_131 : memref<128xf32, #tpu.memory_space<vmem_shared>>)
      tpu.yield
    }) : () -> ()
    %barrier3A = arith.constant 0 : index
    tpu.barrier barrier_id(%barrier3A)
    %mul3A_115 = arith.constant 10112 : i32
    %mul3A_116 = arith.muli %add3A, %mul3A_115 : i32
    %scan3A = arith.constant 0 : i32
    %scan3A_117 = arith.constant 0 : i32
    %scan3A_118 = arith.constant 79 : i32
    %scan3A_119 = arith.addi %scan3A_117, %scan3A_118 : i32
    %scan3A_120 = arith.constant 1 : i32
    scf.for %scan3A_130 = %scan3A_117 to %scan3A_119 step %scan3A_120  : i32 {
      %mul3A_131 = arith.constant 128 : i32
      %mul3A_132 = arith.muli %scan3A_130, %mul3A_131 : i32
      %add3A_133 = arith.addi %mul3A_116, %mul3A_132 : i32
      "tpu.region"() ({
        %run_scoped3A = tpu.sem_alloc : memref<!tpu.dma_semaphore, #tpu.memory_space<semaphore_mem>>
        %dma_start3A = tpu.memref_slice %arg2[%add3A_133] : memref<323584xi32, #tpu.memory_space<hbm>> -> memref<128xi32, #tpu.memory_space<hbm>>
        %dma_start3A_134 = tpu.memref_slice %arg2[%add3A_133] : memref<323584xi32, #tpu.memory_space<hbm>> -> memref<128xi32, #tpu.memory_space<hbm>>
        tpu.enqueue_dma source(%dma_start3A_134 : memref<128xi32, #tpu.memory_space<hbm>>) target(%arg4 : memref<128xi32, #tpu.memory_space<vmem>>) target_semaphore(%run_scoped3A : memref<!tpu.dma_semaphore, #tpu.memory_space<semaphore_mem>>)
        %dma_wait3A = tpu.memref_slice %arg2[%add3A_133] : memref<323584xi32, #tpu.memory_space<hbm>> -> memref<128xi32, #tpu.memory_space<hbm>>
        %dma_wait3A_135 = tpu.memref_slice %arg2[%add3A_133] : memref<323584xi32, #tpu.memory_space<hbm>> -> memref<128xi32, #tpu.memory_space<hbm>>
        tpu.wait_dma2 semaphore(%run_scoped3A : memref<!tpu.dma_semaphore, #tpu.memory_space<semaphore_mem>>) src(%dma_wait3A_135 : memref<128xi32, #tpu.memory_space<hbm>>) dst(%arg4 : memref<128xi32, #tpu.memory_space<vmem>>)
        tpu.yield
      }) : () -> ()
      "tpu.region"() ({
        %run_scoped3A = tpu.sem_alloc : memref<!tpu.dma_semaphore, #tpu.memory_space<semaphore_mem>>
        %dma_start3A = arith.constant 0 : i32
        %dma_start3A_134 = tpu.memref_slice %arg7[%dma_start3A] : memref<10240xf32, #tpu.memory_space<vmem_shared>> -> memref<10240xf32, #tpu.memory_space<vmem_shared>>
        tpu.enqueue_indirect_dma source(%arg5 : memref<128xf32, #tpu.memory_space<vmem>>) target(%dma_start3A_134 : memref<10240xf32, #tpu.memory_space<vmem_shared>>) offsets(%arg4 : memref<128xi32, #tpu.memory_space<vmem>>) semaphore(%run_scoped3A : memref<!tpu.dma_semaphore, #tpu.memory_space<semaphore_mem>>) {add = true}
        %dma_wait3A = arith.constant 0 : i32
        %dma_wait3A_135 = tpu.memref_slice %arg7[%dma_wait3A] : memref<10240xf32, #tpu.memory_space<vmem_shared>> -> memref<10240xf32, #tpu.memory_space<vmem_shared>>
        tpu.wait_indirect_dma semaphore(%run_scoped3A : memref<!tpu.dma_semaphore, #tpu.memory_space<semaphore_mem>>) src(%arg5 : memref<128xf32, #tpu.memory_space<vmem>>) dst(%dma_wait3A_135 : memref<10240xf32, #tpu.memory_space<vmem_shared>>)
        tpu.yield
      }) : () -> ()
    }
    %scan3A_121 = arith.constant 79 : i32
    %barrier3A_122 = arith.constant 0 : index
    tpu.barrier barrier_id(%barrier3A_122)
    %mul3A_123 = arith.constant 640 : i32
    %mul3A_124 = arith.muli %arg1, %mul3A_123 : i32
    %mul3A_125 = arith.constant 10240 : i32
    %mul3A_126 = arith.muli %arg0, %mul3A_125 : i32
    %mul3A_127 = arith.constant 640 : i32
    %mul3A_128 = arith.muli %arg1, %mul3A_127 : i32
    %add3A_129 = arith.addi %mul3A_126, %mul3A_128 : i32
    "tpu.region"() ({
      %run_scoped3A = tpu.sem_alloc : memref<!tpu.dma_semaphore, #tpu.memory_space<semaphore_mem>>
      %dma_start3A = tpu.memref_slice %arg3[%add3A_129] : memref<20480xf32, #tpu.memory_space<hbm>> -> memref<640xf32, #tpu.memory_space<hbm>>
      %dma_start3A_130 = tpu.memref_slice %arg7[%mul3A_124] : memref<10240xf32, #tpu.memory_space<vmem_shared>> -> memref<640xf32, #tpu.memory_space<vmem_shared>>
      tpu.enqueue_dma source(%dma_start3A_130 : memref<640xf32, #tpu.memory_space<vmem_shared>>) target(%dma_start3A : memref<640xf32, #tpu.memory_space<hbm>>) target_semaphore(%run_scoped3A : memref<!tpu.dma_semaphore, #tpu.memory_space<semaphore_mem>>)
      %dma_wait3A = tpu.memref_slice %arg3[%add3A_129] : memref<20480xf32, #tpu.memory_space<hbm>> -> memref<640xf32, #tpu.memory_space<hbm>>
      %dma_wait3A_131 = tpu.memref_slice %arg7[%mul3A_124] : memref<10240xf32, #tpu.memory_space<vmem_shared>> -> memref<640xf32, #tpu.memory_space<vmem_shared>>
      tpu.wait_dma2 semaphore(%run_scoped3A : memref<!tpu.dma_semaphore, #tpu.memory_space<semaphore_mem>>) src(%dma_wait3A_131 : memref<640xf32, #tpu.memory_space<vmem_shared>>) dst(%dma_wait3A : memref<640xf32, #tpu.memory_space<hbm>>)
      tpu.yield
    }) : () -> ()
    return
  }
}

#map = affine_map<(d0, d1) -> (0, 0)>
#map1 = affine_map<(d0, d1) -> (0)>
module attributes {stable_mosaic.version = 14 : i64} {
  func.func @edge_kernel(%arg0: i32, %arg1: i32, %arg2: memref<10000x128xf32, #tpu.memory_space<hbm>>, %arg3: memref<323584xi32, #tpu.memory_space<hbm>>, %arg4: memref<323584xi32, #tpu.memory_space<hbm>>, %arg5: memref<20480x128xf32, #tpu.memory_space<hbm>>, %arg6: memref<128xi32, #tpu.memory_space<vmem>>, %arg7: memref<128xi32, #tpu.memory_space<vmem>>, %arg8: memref<128x128xf32, #tpu.memory_space<vmem>>, %arg9: memref<10240x128xf32, #tpu.memory_space<vmem_shared>>, %arg10: memref<!tpu.dma_semaphore, #tpu.memory_space<semaphore_mem>>) attributes {dimension_semantics = [#tpu.dimension_semantics<core_parallel>, #tpu.dimension_semantics<subcore_parallel>], iteration_bounds = array<i64: 2, 16>, scalar_prefetch = 0 : i64, scratch_operands = 5 : i64, tpu.core_type = #tpu.core_type<sc_vector_subcore>, window_params = [{transform_indices = #map}, {transform_indices = #map1}, {transform_indices = #map1}, {transform_indices = #map}]} {
    %mul3A = arith.constant 16 : i32
    %mul3A_0 = arith.muli %arg0, %mul3A : i32
    %add3A = arith.addi %mul3A_0, %arg1 : i32
    %scan3A = arith.constant 0 : i32
    %scan3A_1 = arith.constant 0 : i32
    %scan3A_2 = arith.constant 128 : i32
    %scan3A_3 = arith.addi %scan3A_1, %scan3A_2 : i32
    %scan3A_4 = arith.constant 1 : i32
    scf.for %scan3A_42 = %scan3A_1 to %scan3A_3 step %scan3A_4  : i32 {
      %broadcast_in_dim3A = arith.constant 0.000000e+00 : f32
      %broadcast_in_dim3A_43 = vector.broadcast %broadcast_in_dim3A : f32 to vector<16xf32>
      %swap3A = arith.index_cast %scan3A_42 : i32 to index
      %swap3A_44 = arith.constant 0 : index
      %swap3A_45 = tpu.vector_load %arg8[%swap3A, %swap3A_44] {strides = array<i32>} : memref<128x128xf32, #tpu.memory_space<vmem>>, vector<1x16xf32>,
      %swap3A_46 = vector.shape_cast %swap3A_45 : vector<1x16xf32> to vector<16xf32>
      %swap3A_47 = vector.shape_cast %broadcast_in_dim3A_43 : vector<16xf32> to vector<1x16xf32>
      tpu.vector_store %arg8[%swap3A, %swap3A_44], %swap3A_47 {strides = array<i32>} : memref<128x128xf32, #tpu.memory_space<vmem>>, vector<1x16xf32>,
      %broadcast_in_dim3A_48 = arith.constant 0.000000e+00 : f32
      %broadcast_in_dim3A_49 = vector.broadcast %broadcast_in_dim3A_48 : f32 to vector<16xf32>
      %swap3A_50 = arith.index_cast %scan3A_42 : i32 to index
      %swap3A_51 = arith.constant 16 : index
      %swap3A_52 = tpu.vector_load %arg8[%swap3A_50, %swap3A_51] {strides = array<i32>} : memref<128x128xf32, #tpu.memory_space<vmem>>, vector<1x16xf32>,
      %swap3A_53 = vector.shape_cast %swap3A_52 : vector<1x16xf32> to vector<16xf32>
      %swap3A_54 = vector.shape_cast %broadcast_in_dim3A_49 : vector<16xf32> to vector<1x16xf32>
      tpu.vector_store %arg8[%swap3A_50, %swap3A_51], %swap3A_54 {strides = array<i32>} : memref<128x128xf32, #tpu.memory_space<vmem>>, vector<1x16xf32>,
      %broadcast_in_dim3A_55 = arith.constant 0.000000e+00 : f32
      %broadcast_in_dim3A_56 = vector.broadcast %broadcast_in_dim3A_55 : f32 to vector<16xf32>
      %swap3A_57 = arith.index_cast %scan3A_42 : i32 to index
      %swap3A_58 = arith.constant 32 : index
      %swap3A_59 = tpu.vector_load %arg8[%swap3A_57, %swap3A_58] {strides = array<i32>} : memref<128x128xf32, #tpu.memory_space<vmem>>, vector<1x16xf32>,
      %swap3A_60 = vector.shape_cast %swap3A_59 : vector<1x16xf32> to vector<16xf32>
      %swap3A_61 = vector.shape_cast %broadcast_in_dim3A_56 : vector<16xf32> to vector<1x16xf32>
      tpu.vector_store %arg8[%swap3A_57, %swap3A_58], %swap3A_61 {strides = array<i32>} : memref<128x128xf32, #tpu.memory_space<vmem>>, vector<1x16xf32>,
      %broadcast_in_dim3A_62 = arith.constant 0.000000e+00 : f32
      %broadcast_in_dim3A_63 = vector.broadcast %broadcast_in_dim3A_62 : f32 to vector<16xf32>
      %swap3A_64 = arith.index_cast %scan3A_42 : i32 to index
      %swap3A_65 = arith.constant 48 : index
      %swap3A_66 = tpu.vector_load %arg8[%swap3A_64, %swap3A_65] {strides = array<i32>} : memref<128x128xf32, #tpu.memory_space<vmem>>, vector<1x16xf32>,
      %swap3A_67 = vector.shape_cast %swap3A_66 : vector<1x16xf32> to vector<16xf32>
      %swap3A_68 = vector.shape_cast %broadcast_in_dim3A_63 : vector<16xf32> to vector<1x16xf32>
      tpu.vector_store %arg8[%swap3A_64, %swap3A_65], %swap3A_68 {strides = array<i32>} : memref<128x128xf32, #tpu.memory_space<vmem>>, vector<1x16xf32>,
      %broadcast_in_dim3A_69 = arith.constant 0.000000e+00 : f32
      %broadcast_in_dim3A_70 = vector.broadcast %broadcast_in_dim3A_69 : f32 to vector<16xf32>
      %swap3A_71 = arith.index_cast %scan3A_42 : i32 to index
      %swap3A_72 = arith.constant 64 : index
      %swap3A_73 = tpu.vector_load %arg8[%swap3A_71, %swap3A_72] {strides = array<i32>} : memref<128x128xf32, #tpu.memory_space<vmem>>, vector<1x16xf32>,
      %swap3A_74 = vector.shape_cast %swap3A_73 : vector<1x16xf32> to vector<16xf32>
      %swap3A_75 = vector.shape_cast %broadcast_in_dim3A_70 : vector<16xf32> to vector<1x16xf32>
      tpu.vector_store %arg8[%swap3A_71, %swap3A_72], %swap3A_75 {strides = array<i32>} : memref<128x128xf32, #tpu.memory_space<vmem>>, vector<1x16xf32>,
      %broadcast_in_dim3A_76 = arith.constant 0.000000e+00 : f32
      %broadcast_in_dim3A_77 = vector.broadcast %broadcast_in_dim3A_76 : f32 to vector<16xf32>
      %swap3A_78 = arith.index_cast %scan3A_42 : i32 to index
      %swap3A_79 = arith.constant 80 : index
      %swap3A_80 = tpu.vector_load %arg8[%swap3A_78, %swap3A_79] {strides = array<i32>} : memref<128x128xf32, #tpu.memory_space<vmem>>, vector<1x16xf32>,
      %swap3A_81 = vector.shape_cast %swap3A_80 : vector<1x16xf32> to vector<16xf32>
      %swap3A_82 = vector.shape_cast %broadcast_in_dim3A_77 : vector<16xf32> to vector<1x16xf32>
      tpu.vector_store %arg8[%swap3A_78, %swap3A_79], %swap3A_82 {strides = array<i32>} : memref<128x128xf32, #tpu.memory_space<vmem>>, vector<1x16xf32>,
      %broadcast_in_dim3A_83 = arith.constant 0.000000e+00 : f32
      %broadcast_in_dim3A_84 = vector.broadcast %broadcast_in_dim3A_83 : f32 to vector<16xf32>
      %swap3A_85 = arith.index_cast %scan3A_42 : i32 to index
      %swap3A_86 = arith.constant 96 : index
      %swap3A_87 = tpu.vector_load %arg8[%swap3A_85, %swap3A_86] {strides = array<i32>} : memref<128x128xf32, #tpu.memory_space<vmem>>, vector<1x16xf32>,
      %swap3A_88 = vector.shape_cast %swap3A_87 : vector<1x16xf32> to vector<16xf32>
      %swap3A_89 = vector.shape_cast %broadcast_in_dim3A_84 : vector<16xf32> to vector<1x16xf32>
      tpu.vector_store %arg8[%swap3A_85, %swap3A_86], %swap3A_89 {strides = array<i32>} : memref<128x128xf32, #tpu.memory_space<vmem>>, vector<1x16xf32>,
      %broadcast_in_dim3A_90 = arith.constant 0.000000e+00 : f32
      %broadcast_in_dim3A_91 = vector.broadcast %broadcast_in_dim3A_90 : f32 to vector<16xf32>
      %swap3A_92 = arith.index_cast %scan3A_42 : i32 to index
      %swap3A_93 = arith.constant 112 : index
      %swap3A_94 = tpu.vector_load %arg8[%swap3A_92, %swap3A_93] {strides = array<i32>} : memref<128x128xf32, #tpu.memory_space<vmem>>, vector<1x16xf32>,
      %swap3A_95 = vector.shape_cast %swap3A_94 : vector<1x16xf32> to vector<16xf32>
      %swap3A_96 = vector.shape_cast %broadcast_in_dim3A_91 : vector<16xf32> to vector<1x16xf32>
      tpu.vector_store %arg8[%swap3A_92, %swap3A_93], %swap3A_96 {strides = array<i32>} : memref<128x128xf32, #tpu.memory_space<vmem>>, vector<1x16xf32>,
    }
    %scan3A_5 = arith.constant 128 : i32
    %mul3A_6 = arith.constant 640 : i32
    %mul3A_7 = arith.muli %arg1, %mul3A_6 : i32
    %add3A_8 = arith.constant 0 : i32
    %add3A_9 = arith.addi %mul3A_7, %add3A_8 : i32
    "tpu.region"() ({
      %run_scoped3A = tpu.sem_alloc : memref<!tpu.dma_semaphore, #tpu.memory_space<semaphore_mem>>
      %dma_start3A = arith.constant 0 : i32
      %dma_start3A_42 = tpu.memref_slice %arg9[%add3A_9, %dma_start3A] : memref<10240x128xf32, #tpu.memory_space<vmem_shared>> -> memref<128x128xf32, #tpu.memory_space<vmem_shared>>
      %dma_start3A_43 = arith.constant 0 : i32
      %dma_start3A_44 = tpu.memref_slice %arg9[%add3A_9, %dma_start3A_43] : memref<10240x128xf32, #tpu.memory_space<vmem_shared>> -> memref<128x128xf32, #tpu.memory_space<vmem_shared>>
      tpu.enqueue_dma source(%arg8 : memref<128x128xf32, #tpu.memory_space<vmem>>) target(%dma_start3A_44 : memref<128x128xf32, #tpu.memory_space<vmem_shared>>) target_semaphore(%run_scoped3A : memref<!tpu.dma_semaphore, #tpu.memory_space<semaphore_mem>>)
      %dma_wait3A = arith.constant 0 : i32
      %dma_wait3A_45 = tpu.memref_slice %arg9[%add3A_9, %dma_wait3A] : memref<10240x128xf32, #tpu.memory_space<vmem_shared>> -> memref<128x128xf32, #tpu.memory_space<vmem_shared>>
      %dma_wait3A_46 = arith.constant 0 : i32
      %dma_wait3A_47 = tpu.memref_slice %arg9[%add3A_9, %dma_wait3A_46] : memref<10240x128xf32, #tpu.memory_space<vmem_shared>> -> memref<128x128xf32, #tpu.memory_space<vmem_shared>>
      tpu.wait_dma2 semaphore(%run_scoped3A : memref<!tpu.dma_semaphore, #tpu.memory_space<semaphore_mem>>) src(%arg8 : memref<128x128xf32, #tpu.memory_space<vmem>>) dst(%dma_wait3A_47 : memref<128x128xf32, #tpu.memory_space<vmem_shared>>)
      tpu.yield
    }) : () -> ()
    %mul3A_10 = arith.constant 640 : i32
    %mul3A_11 = arith.muli %arg1, %mul3A_10 : i32
    %add3A_12 = arith.constant 128 : i32
    %add3A_13 = arith.addi %mul3A_11, %add3A_12 : i32
    "tpu.region"() ({
      %run_scoped3A = tpu.sem_alloc : memref<!tpu.dma_semaphore, #tpu.memory_space<semaphore_mem>>
      %dma_start3A = arith.constant 0 : i32
      %dma_start3A_42 = tpu.memref_slice %arg9[%add3A_13, %dma_start3A] : memref<10240x128xf32, #tpu.memory_space<vmem_shared>> -> memref<128x128xf32, #tpu.memory_space<vmem_shared>>
      %dma_start3A_43 = arith.constant 0 : i32
      %dma_start3A_44 = tpu.memref_slice %arg9[%add3A_13, %dma_start3A_43] : memref<10240x128xf32, #tpu.memory_space<vmem_shared>> -> memref<128x128xf32, #tpu.memory_space<vmem_shared>>
      tpu.enqueue_dma source(%arg8 : memref<128x128xf32, #tpu.memory_space<vmem>>) target(%dma_start3A_44 : memref<128x128xf32, #tpu.memory_space<vmem_shared>>) target_semaphore(%run_scoped3A : memref<!tpu.dma_semaphore, #tpu.memory_space<semaphore_mem>>)
      %dma_wait3A = arith.constant 0 : i32
      %dma_wait3A_45 = tpu.memref_slice %arg9[%add3A_13, %dma_wait3A] : memref<10240x128xf32, #tpu.memory_space<vmem_shared>> -> memref<128x128xf32, #tpu.memory_space<vmem_shared>>
      %dma_wait3A_46 = arith.constant 0 : i32
      %dma_wait3A_47 = tpu.memref_slice %arg9[%add3A_13, %dma_wait3A_46] : memref<10240x128xf32, #tpu.memory_space<vmem_shared>> -> memref<128x128xf32, #tpu.memory_space<vmem_shared>>
      tpu.wait_dma2 semaphore(%run_scoped3A : memref<!tpu.dma_semaphore, #tpu.memory_space<semaphore_mem>>) src(%arg8 : memref<128x128xf32, #tpu.memory_space<vmem>>) dst(%dma_wait3A_47 : memref<128x128xf32, #tpu.memory_space<vmem_shared>>)
      tpu.yield
    }) : () -> ()
    %mul3A_14 = arith.constant 640 : i32
    %mul3A_15 = arith.muli %arg1, %mul3A_14 : i32
    %add3A_16 = arith.constant 256 : i32
    %add3A_17 = arith.addi %mul3A_15, %add3A_16 : i32
    "tpu.region"() ({
      %run_scoped3A = tpu.sem_alloc : memref<!tpu.dma_semaphore, #tpu.memory_space<semaphore_mem>>
      %dma_start3A = arith.constant 0 : i32
      %dma_start3A_42 = tpu.memref_slice %arg9[%add3A_17, %dma_start3A] : memref<10240x128xf32, #tpu.memory_space<vmem_shared>> -> memref<128x128xf32, #tpu.memory_space<vmem_shared>>
      %dma_start3A_43 = arith.constant 0 : i32
      %dma_start3A_44 = tpu.memref_slice %arg9[%add3A_17, %dma_start3A_43] : memref<10240x128xf32, #tpu.memory_space<vmem_shared>> -> memref<128x128xf32, #tpu.memory_space<vmem_shared>>
      tpu.enqueue_dma source(%arg8 : memref<128x128xf32, #tpu.memory_space<vmem>>) target(%dma_start3A_44 : memref<128x128xf32, #tpu.memory_space<vmem_shared>>) target_semaphore(%run_scoped3A : memref<!tpu.dma_semaphore, #tpu.memory_space<semaphore_mem>>)
      %dma_wait3A = arith.constant 0 : i32
      %dma_wait3A_45 = tpu.memref_slice %arg9[%add3A_17, %dma_wait3A] : memref<10240x128xf32, #tpu.memory_space<vmem_shared>> -> memref<128x128xf32, #tpu.memory_space<vmem_shared>>
      %dma_wait3A_46 = arith.constant 0 : i32
      %dma_wait3A_47 = tpu.memref_slice %arg9[%add3A_17, %dma_wait3A_46] : memref<10240x128xf32, #tpu.memory_space<vmem_shared>> -> memref<128x128xf32, #tpu.memory_space<vmem_shared>>
      tpu.wait_dma2 semaphore(%run_scoped3A : memref<!tpu.dma_semaphore, #tpu.memory_space<semaphore_mem>>) src(%arg8 : memref<128x128xf32, #tpu.memory_space<vmem>>) dst(%dma_wait3A_47 : memref<128x128xf32, #tpu.memory_space<vmem_shared>>)
      tpu.yield
    }) : () -> ()
    %mul3A_18 = arith.constant 640 : i32
    %mul3A_19 = arith.muli %arg1, %mul3A_18 : i32
    %add3A_20 = arith.constant 384 : i32
    %add3A_21 = arith.addi %mul3A_19, %add3A_20 : i32
    "tpu.region"() ({
      %run_scoped3A = tpu.sem_alloc : memref<!tpu.dma_semaphore, #tpu.memory_space<semaphore_mem>>
      %dma_start3A = arith.constant 0 : i32
      %dma_start3A_42 = tpu.memref_slice %arg9[%add3A_21, %dma_start3A] : memref<10240x128xf32, #tpu.memory_space<vmem_shared>> -> memref<128x128xf32, #tpu.memory_space<vmem_shared>>
      %dma_start3A_43 = arith.constant 0 : i32
      %dma_start3A_44 = tpu.memref_slice %arg9[%add3A_21, %dma_start3A_43] : memref<10240x128xf32, #tpu.memory_space<vmem_shared>> -> memref<128x128xf32, #tpu.memory_space<vmem_shared>>
      tpu.enqueue_dma source(%arg8 : memref<128x128xf32, #tpu.memory_space<vmem>>) target(%dma_start3A_44 : memref<128x128xf32, #tpu.memory_space<vmem_shared>>) target_semaphore(%run_scoped3A : memref<!tpu.dma_semaphore, #tpu.memory_space<semaphore_mem>>)
      %dma_wait3A = arith.constant 0 : i32
      %dma_wait3A_45 = tpu.memref_slice %arg9[%add3A_21, %dma_wait3A] : memref<10240x128xf32, #tpu.memory_space<vmem_shared>> -> memref<128x128xf32, #tpu.memory_space<vmem_shared>>
      %dma_wait3A_46 = arith.constant 0 : i32
      %dma_wait3A_47 = tpu.memref_slice %arg9[%add3A_21, %dma_wait3A_46] : memref<10240x128xf32, #tpu.memory_space<vmem_shared>> -> memref<128x128xf32, #tpu.memory_space<vmem_shared>>
      tpu.wait_dma2 semaphore(%run_scoped3A : memref<!tpu.dma_semaphore, #tpu.memory_space<semaphore_mem>>) src(%arg8 : memref<128x128xf32, #tpu.memory_space<vmem>>) dst(%dma_wait3A_47 : memref<128x128xf32, #tpu.memory_space<vmem_shared>>)
      tpu.yield
    }) : () -> ()
    %mul3A_22 = arith.constant 640 : i32
    %mul3A_23 = arith.muli %arg1, %mul3A_22 : i32
    %add3A_24 = arith.constant 512 : i32
    %add3A_25 = arith.addi %mul3A_23, %add3A_24 : i32
    "tpu.region"() ({
      %run_scoped3A = tpu.sem_alloc : memref<!tpu.dma_semaphore, #tpu.memory_space<semaphore_mem>>
      %dma_start3A = arith.constant 0 : i32
      %dma_start3A_42 = tpu.memref_slice %arg9[%add3A_25, %dma_start3A] : memref<10240x128xf32, #tpu.memory_space<vmem_shared>> -> memref<128x128xf32, #tpu.memory_space<vmem_shared>>
      %dma_start3A_43 = arith.constant 0 : i32
      %dma_start3A_44 = tpu.memref_slice %arg9[%add3A_25, %dma_start3A_43] : memref<10240x128xf32, #tpu.memory_space<vmem_shared>> -> memref<128x128xf32, #tpu.memory_space<vmem_shared>>
      tpu.enqueue_dma source(%arg8 : memref<128x128xf32, #tpu.memory_space<vmem>>) target(%dma_start3A_44 : memref<128x128xf32, #tpu.memory_space<vmem_shared>>) target_semaphore(%run_scoped3A : memref<!tpu.dma_semaphore, #tpu.memory_space<semaphore_mem>>)
      %dma_wait3A = arith.constant 0 : i32
      %dma_wait3A_45 = tpu.memref_slice %arg9[%add3A_25, %dma_wait3A] : memref<10240x128xf32, #tpu.memory_space<vmem_shared>> -> memref<128x128xf32, #tpu.memory_space<vmem_shared>>
      %dma_wait3A_46 = arith.constant 0 : i32
      %dma_wait3A_47 = tpu.memref_slice %arg9[%add3A_25, %dma_wait3A_46] : memref<10240x128xf32, #tpu.memory_space<vmem_shared>> -> memref<128x128xf32, #tpu.memory_space<vmem_shared>>
      tpu.wait_dma2 semaphore(%run_scoped3A : memref<!tpu.dma_semaphore, #tpu.memory_space<semaphore_mem>>) src(%arg8 : memref<128x128xf32, #tpu.memory_space<vmem>>) dst(%dma_wait3A_47 : memref<128x128xf32, #tpu.memory_space<vmem_shared>>)
      tpu.yield
    }) : () -> ()
    %barrier3A = arith.constant 0 : index
    tpu.barrier barrier_id(%barrier3A)
    %mul3A_26 = arith.constant 10112 : i32
    %mul3A_27 = arith.muli %add3A, %mul3A_26 : i32
    %scan3A_28 = arith.constant 0 : i32
    %scan3A_29 = arith.constant 0 : i32
    %scan3A_30 = arith.constant 79 : i32
    %scan3A_31 = arith.addi %scan3A_29, %scan3A_30 : i32
    %scan3A_32 = arith.constant 1 : i32
    scf.for %scan3A_42 = %scan3A_29 to %scan3A_31 step %scan3A_32  : i32 {
      %mul3A_43 = arith.constant 128 : i32
      %mul3A_44 = arith.muli %scan3A_42, %mul3A_43 : i32
      %add3A_45 = arith.addi %mul3A_27, %mul3A_44 : i32
      "tpu.region"() ({
        %run_scoped3A = tpu.sem_alloc : memref<!tpu.dma_semaphore, #tpu.memory_space<semaphore_mem>>
        %dma_start3A_50 = tpu.memref_slice %arg3[%add3A_45] : memref<323584xi32, #tpu.memory_space<hbm>> -> memref<128xi32, #tpu.memory_space<hbm>>
        %dma_start3A_51 = tpu.memref_slice %arg3[%add3A_45] : memref<323584xi32, #tpu.memory_space<hbm>> -> memref<128xi32, #tpu.memory_space<hbm>>
        tpu.enqueue_dma source(%dma_start3A_51 : memref<128xi32, #tpu.memory_space<hbm>>) target(%arg6 : memref<128xi32, #tpu.memory_space<vmem>>) target_semaphore(%run_scoped3A : memref<!tpu.dma_semaphore, #tpu.memory_space<semaphore_mem>>)
        %dma_wait3A_52 = tpu.memref_slice %arg3[%add3A_45] : memref<323584xi32, #tpu.memory_space<hbm>> -> memref<128xi32, #tpu.memory_space<hbm>>
        %dma_wait3A_53 = tpu.memref_slice %arg3[%add3A_45] : memref<323584xi32, #tpu.memory_space<hbm>> -> memref<128xi32, #tpu.memory_space<hbm>>
        tpu.wait_dma2 semaphore(%run_scoped3A : memref<!tpu.dma_semaphore, #tpu.memory_space<semaphore_mem>>) src(%dma_wait3A_53 : memref<128xi32, #tpu.memory_space<hbm>>) dst(%arg6 : memref<128xi32, #tpu.memory_space<vmem>>)
        tpu.yield
      }) : () -> ()
      "tpu.region"() ({
        %run_scoped3A = tpu.sem_alloc : memref<!tpu.dma_semaphore, #tpu.memory_space<semaphore_mem>>
        %dma_start3A_50 = tpu.memref_slice %arg4[%add3A_45] : memref<323584xi32, #tpu.memory_space<hbm>> -> memref<128xi32, #tpu.memory_space<hbm>>
        %dma_start3A_51 = tpu.memref_slice %arg4[%add3A_45] : memref<323584xi32, #tpu.memory_space<hbm>> -> memref<128xi32, #tpu.memory_space<hbm>>
        tpu.enqueue_dma source(%dma_start3A_51 : memref<128xi32, #tpu.memory_space<hbm>>) target(%arg7 : memref<128xi32, #tpu.memory_space<vmem>>) target_semaphore(%run_scoped3A : memref<!tpu.dma_semaphore, #tpu.memory_space<semaphore_mem>>)
        %dma_wait3A_52 = tpu.memref_slice %arg4[%add3A_45] : memref<323584xi32, #tpu.memory_space<hbm>> -> memref<128xi32, #tpu.memory_space<hbm>>
        %dma_wait3A_53 = tpu.memref_slice %arg4[%add3A_45] : memref<323584xi32, #tpu.memory_space<hbm>> -> memref<128xi32, #tpu.memory_space<hbm>>
        tpu.wait_dma2 semaphore(%run_scoped3A : memref<!tpu.dma_semaphore, #tpu.memory_space<semaphore_mem>>) src(%dma_wait3A_53 : memref<128xi32, #tpu.memory_space<hbm>>) dst(%arg7 : memref<128xi32, #tpu.memory_space<vmem>>)
        tpu.yield
      }) : () -> ()
      %dma_start3A = arith.constant 0 : i32
      %dma_start3A_46 = arith.constant 0 : i32
      %dma_start3A_47 = tpu.memref_slice %arg2[%dma_start3A, %dma_start3A_46] : memref<10000x128xf32, #tpu.memory_space<hbm>> -> memref<10000x128xf32, #tpu.memory_space<hbm>>
      tpu.enqueue_indirect_dma source(%dma_start3A_47 : memref<10000x128xf32, #tpu.memory_space<hbm>>) target(%arg8 : memref<128x128xf32, #tpu.memory_space<vmem>>) offsets(%arg6 : memref<128xi32, #tpu.memory_space<vmem>>) semaphore(%arg10 : memref<!tpu.dma_semaphore, #tpu.memory_space<semaphore_mem>>)
      %dma_wait3A = arith.constant 0 : i32
      %dma_wait3A_48 = arith.constant 0 : i32
      %dma_wait3A_49 = tpu.memref_slice %arg2[%dma_wait3A, %dma_wait3A_48] : memref<10000x128xf32, #tpu.memory_space<hbm>> -> memref<10000x128xf32, #tpu.memory_space<hbm>>
      tpu.wait_indirect_dma semaphore(%arg10 : memref<!tpu.dma_semaphore, #tpu.memory_space<semaphore_mem>>) src(%dma_wait3A_49 : memref<10000x128xf32, #tpu.memory_space<hbm>>) dst(%arg8 : memref<128x128xf32, #tpu.memory_space<vmem>>)
      "tpu.region"() ({
        %run_scoped3A = tpu.sem_alloc : memref<!tpu.dma_semaphore, #tpu.memory_space<semaphore_mem>>
        %dma_start3A_50 = arith.constant 0 : i32
        %dma_start3A_51 = arith.constant 0 : i32
        %dma_start3A_52 = tpu.memref_slice %arg9[%dma_start3A_50, %dma_start3A_51] : memref<10240x128xf32, #tpu.memory_space<vmem_shared>> -> memref<10240x128xf32, #tpu.memory_space<vmem_shared>>
        tpu.enqueue_indirect_dma source(%arg8 : memref<128x128xf32, #tpu.memory_space<vmem>>) target(%dma_start3A_52 : memref<10240x128xf32, #tpu.memory_space<vmem_shared>>) offsets(%arg7 : memref<128xi32, #tpu.memory_space<vmem>>) semaphore(%run_scoped3A : memref<!tpu.dma_semaphore, #tpu.memory_space<semaphore_mem>>) {add = true}
        %dma_wait3A_53 = arith.constant 0 : i32
        %dma_wait3A_54 = arith.constant 0 : i32
        %dma_wait3A_55 = tpu.memref_slice %arg9[%dma_wait3A_53, %dma_wait3A_54] : memref<10240x128xf32, #tpu.memory_space<vmem_shared>> -> memref<10240x128xf32, #tpu.memory_space<vmem_shared>>
        tpu.wait_indirect_dma semaphore(%run_scoped3A : memref<!tpu.dma_semaphore, #tpu.memory_space<semaphore_mem>>) src(%arg8 : memref<128x128xf32, #tpu.memory_space<vmem>>) dst(%dma_wait3A_55 : memref<10240x128xf32, #tpu.memory_space<vmem_shared>>)
        tpu.yield
      }) : () -> ()
    }
    %scan3A_33 = arith.constant 79 : i32
    %barrier3A_34 = arith.constant 0 : index
    tpu.barrier barrier_id(%barrier3A_34)
    %mul3A_35 = arith.constant 640 : i32
    %mul3A_36 = arith.muli %arg1, %mul3A_35 : i32
    %mul3A_37 = arith.constant 10240 : i32
    %mul3A_38 = arith.muli %arg0, %mul3A_37 : i32
    %mul3A_39 = arith.constant 640 : i32
    %mul3A_40 = arith.muli %arg1, %mul3A_39 : i32
    %add3A_41 = arith.addi %mul3A_38, %mul3A_40 : i32
    "tpu.region"() ({
      %run_scoped3A = tpu.sem_alloc : memref<!tpu.dma_semaphore, #tpu.memory_space<semaphore_mem>>
      %dma_start3A = arith.constant 0 : i32
      %dma_start3A_42 = tpu.memref_slice %arg5[%add3A_41, %dma_start3A] : memref<20480x128xf32, #tpu.memory_space<hbm>> -> memref<640x128xf32, #tpu.memory_space<hbm>>
      %dma_start3A_43 = arith.constant 0 : i32
      %dma_start3A_44 = tpu.memref_slice %arg9[%mul3A_36, %dma_start3A_43] : memref<10240x128xf32, #tpu.memory_space<vmem_shared>> -> memref<640x128xf32, #tpu.memory_space<vmem_shared>>
      tpu.enqueue_dma source(%dma_start3A_44 : memref<640x128xf32, #tpu.memory_space<vmem_shared>>) target(%dma_start3A_42 : memref<640x128xf32, #tpu.memory_space<hbm>>) target_semaphore(%run_scoped3A : memref<!tpu.dma_semaphore, #tpu.memory_space<semaphore_mem>>)
      %dma_wait3A = arith.constant 0 : i32
      %dma_wait3A_45 = tpu.memref_slice %arg5[%add3A_41, %dma_wait3A] : memref<20480x128xf32, #tpu.memory_space<hbm>> -> memref<640x128xf32, #tpu.memory_space<hbm>>
      %dma_wait3A_46 = arith.constant 0 : i32
      %dma_wait3A_47 = tpu.memref_slice %arg9[%mul3A_36, %dma_wait3A_46] : memref<10240x128xf32, #tpu.memory_space<vmem_shared>> -> memref<640x128xf32, #tpu.memory_space<vmem_shared>>
      tpu.wait_dma2 semaphore(%run_scoped3A : memref<!tpu.dma_semaphore, #tpu.memory_space<semaphore_mem>>) src(%dma_wait3A_47 : memref<640x128xf32, #tpu.memory_space<vmem_shared>>) dst(%dma_wait3A_45 : memref<640x128xf32, #tpu.memory_space<hbm>>)
      tpu.yield
    }) : () -> ()
    return
  }
}

#map = affine_map<(d0, d1) -> (0, 0)>
#map1 = affine_map<(d0, d1) -> (0)>
module attributes {stable_mosaic.version = 14 : i64} {
  func.func @edge_kernel(%arg0: i32, %arg1: i32, %arg2: memref<10000x128xf32, #tpu.memory_space<hbm>>, %arg3: memref<323584xi32, #tpu.memory_space<hbm>>, %arg4: memref<323584xi32, #tpu.memory_space<hbm>>, %arg5: memref<20480x128xf32, #tpu.memory_space<hbm>>, %arg6: memref<128xi32, #tpu.memory_space<vmem>>, %arg7: memref<128xi32, #tpu.memory_space<vmem>>, %arg8: memref<128x128xf32, #tpu.memory_space<vmem>>, %arg9: memref<10240x128xf32, #tpu.memory_space<vmem_shared>>, %arg10: memref<!tpu.dma_semaphore, #tpu.memory_space<semaphore_mem>>) attributes {dimension_semantics = [#tpu.dimension_semantics<core_parallel>, #tpu.dimension_semantics<subcore_parallel>], iteration_bounds = array<i64: 2, 16>, scalar_prefetch = 0 : i64, scratch_operands = 5 : i64, tpu.core_type = #tpu.core_type<sc_vector_subcore>, window_params = [{transform_indices = #map}, {transform_indices = #map1}, {transform_indices = #map1}, {transform_indices = #map}]} {
    %mul3A = arith.constant 16 : i32
    %mul3A_0 = arith.muli %arg0, %mul3A : i32
    %add3A = arith.addi %mul3A_0, %arg1 : i32
    %scan3A = arith.constant 0 : i32
    %scan3A_1 = arith.constant 0 : i32
    %scan3A_2 = arith.constant 128 : i32
    %scan3A_3 = arith.addi %scan3A_1, %scan3A_2 : i32
    %scan3A_4 = arith.constant 1 : i32
    scf.for %scan3A_42 = %scan3A_1 to %scan3A_3 step %scan3A_4  : i32 {
      %broadcast_in_dim3A = arith.constant 0.000000e+00 : f32
      %broadcast_in_dim3A_43 = vector.broadcast %broadcast_in_dim3A : f32 to vector<16xf32>
      %swap3A = arith.index_cast %scan3A_42 : i32 to index
      %swap3A_44 = arith.constant 0 : index
      %swap3A_45 = tpu.vector_load %arg8[%swap3A, %swap3A_44] {strides = array<i32>} : memref<128x128xf32, #tpu.memory_space<vmem>>, vector<1x16xf32>,
      %swap3A_46 = vector.shape_cast %swap3A_45 : vector<1x16xf32> to vector<16xf32>
      %swap3A_47 = vector.shape_cast %broadcast_in_dim3A_43 : vector<16xf32> to vector<1x16xf32>
      tpu.vector_store %arg8[%swap3A, %swap3A_44], %swap3A_47 {strides = array<i32>} : memref<128x128xf32, #tpu.memory_space<vmem>>, vector<1x16xf32>,
      %broadcast_in_dim3A_48 = arith.constant 0.000000e+00 : f32
      %broadcast_in_dim3A_49 = vector.broadcast %broadcast_in_dim3A_48 : f32 to vector<16xf32>
      %swap3A_50 = arith.index_cast %scan3A_42 : i32 to index
      %swap3A_51 = arith.constant 16 : index
      %swap3A_52 = tpu.vector_load %arg8[%swap3A_50, %swap3A_51] {strides = array<i32>} : memref<128x128xf32, #tpu.memory_space<vmem>>, vector<1x16xf32>,
      %swap3A_53 = vector.shape_cast %swap3A_52 : vector<1x16xf32> to vector<16xf32>
      %swap3A_54 = vector.shape_cast %broadcast_in_dim3A_49 : vector<16xf32> to vector<1x16xf32>
      tpu.vector_store %arg8[%swap3A_50, %swap3A_51], %swap3A_54 {strides = array<i32>} : memref<128x128xf32, #tpu.memory_space<vmem>>, vector<1x16xf32>,
      %broadcast_in_dim3A_55 = arith.constant 0.000000e+00 : f32
      %broadcast_in_dim3A_56 = vector.broadcast %broadcast_in_dim3A_55 : f32 to vector<16xf32>
      %swap3A_57 = arith.index_cast %scan3A_42 : i32 to index
      %swap3A_58 = arith.constant 32 : index
      %swap3A_59 = tpu.vector_load %arg8[%swap3A_57, %swap3A_58] {strides = array<i32>} : memref<128x128xf32, #tpu.memory_space<vmem>>, vector<1x16xf32>,
      %swap3A_60 = vector.shape_cast %swap3A_59 : vector<1x16xf32> to vector<16xf32>
      %swap3A_61 = vector.shape_cast %broadcast_in_dim3A_56 : vector<16xf32> to vector<1x16xf32>
      tpu.vector_store %arg8[%swap3A_57, %swap3A_58], %swap3A_61 {strides = array<i32>} : memref<128x128xf32, #tpu.memory_space<vmem>>, vector<1x16xf32>,
      %broadcast_in_dim3A_62 = arith.constant 0.000000e+00 : f32
      %broadcast_in_dim3A_63 = vector.broadcast %broadcast_in_dim3A_62 : f32 to vector<16xf32>
      %swap3A_64 = arith.index_cast %scan3A_42 : i32 to index
      %swap3A_65 = arith.constant 48 : index
      %swap3A_66 = tpu.vector_load %arg8[%swap3A_64, %swap3A_65] {strides = array<i32>} : memref<128x128xf32, #tpu.memory_space<vmem>>, vector<1x16xf32>,
      %swap3A_67 = vector.shape_cast %swap3A_66 : vector<1x16xf32> to vector<16xf32>
      %swap3A_68 = vector.shape_cast %broadcast_in_dim3A_63 : vector<16xf32> to vector<1x16xf32>
      tpu.vector_store %arg8[%swap3A_64, %swap3A_65], %swap3A_68 {strides = array<i32>} : memref<128x128xf32, #tpu.memory_space<vmem>>, vector<1x16xf32>,
      %broadcast_in_dim3A_69 = arith.constant 0.000000e+00 : f32
      %broadcast_in_dim3A_70 = vector.broadcast %broadcast_in_dim3A_69 : f32 to vector<16xf32>
      %swap3A_71 = arith.index_cast %scan3A_42 : i32 to index
      %swap3A_72 = arith.constant 64 : index
      %swap3A_73 = tpu.vector_load %arg8[%swap3A_71, %swap3A_72] {strides = array<i32>} : memref<128x128xf32, #tpu.memory_space<vmem>>, vector<1x16xf32>,
      %swap3A_74 = vector.shape_cast %swap3A_73 : vector<1x16xf32> to vector<16xf32>
      %swap3A_75 = vector.shape_cast %broadcast_in_dim3A_70 : vector<16xf32> to vector<1x16xf32>
      tpu.vector_store %arg8[%swap3A_71, %swap3A_72], %swap3A_75 {strides = array<i32>} : memref<128x128xf32, #tpu.memory_space<vmem>>, vector<1x16xf32>,
      %broadcast_in_dim3A_76 = arith.constant 0.000000e+00 : f32
      %broadcast_in_dim3A_77 = vector.broadcast %broadcast_in_dim3A_76 : f32 to vector<16xf32>
      %swap3A_78 = arith.index_cast %scan3A_42 : i32 to index
      %swap3A_79 = arith.constant 80 : index
      %swap3A_80 = tpu.vector_load %arg8[%swap3A_78, %swap3A_79] {strides = array<i32>} : memref<128x128xf32, #tpu.memory_space<vmem>>, vector<1x16xf32>,
      %swap3A_81 = vector.shape_cast %swap3A_80 : vector<1x16xf32> to vector<16xf32>
      %swap3A_82 = vector.shape_cast %broadcast_in_dim3A_77 : vector<16xf32> to vector<1x16xf32>
      tpu.vector_store %arg8[%swap3A_78, %swap3A_79], %swap3A_82 {strides = array<i32>} : memref<128x128xf32, #tpu.memory_space<vmem>>, vector<1x16xf32>,
      %broadcast_in_dim3A_83 = arith.constant 0.000000e+00 : f32
      %broadcast_in_dim3A_84 = vector.broadcast %broadcast_in_dim3A_83 : f32 to vector<16xf32>
      %swap3A_85 = arith.index_cast %scan3A_42 : i32 to index
      %swap3A_86 = arith.constant 96 : index
      %swap3A_87 = tpu.vector_load %arg8[%swap3A_85, %swap3A_86] {strides = array<i32>} : memref<128x128xf32, #tpu.memory_space<vmem>>, vector<1x16xf32>,
      %swap3A_88 = vector.shape_cast %swap3A_87 : vector<1x16xf32> to vector<16xf32>
      %swap3A_89 = vector.shape_cast %broadcast_in_dim3A_84 : vector<16xf32> to vector<1x16xf32>
      tpu.vector_store %arg8[%swap3A_85, %swap3A_86], %swap3A_89 {strides = array<i32>} : memref<128x128xf32, #tpu.memory_space<vmem>>, vector<1x16xf32>,
      %broadcast_in_dim3A_90 = arith.constant 0.000000e+00 : f32
      %broadcast_in_dim3A_91 = vector.broadcast %broadcast_in_dim3A_90 : f32 to vector<16xf32>
      %swap3A_92 = arith.index_cast %scan3A_42 : i32 to index
      %swap3A_93 = arith.constant 112 : index
      %swap3A_94 = tpu.vector_load %arg8[%swap3A_92, %swap3A_93] {strides = array<i32>} : memref<128x128xf32, #tpu.memory_space<vmem>>, vector<1x16xf32>,
      %swap3A_95 = vector.shape_cast %swap3A_94 : vector<1x16xf32> to vector<16xf32>
      %swap3A_96 = vector.shape_cast %broadcast_in_dim3A_91 : vector<16xf32> to vector<1x16xf32>
      tpu.vector_store %arg8[%swap3A_92, %swap3A_93], %swap3A_96 {strides = array<i32>} : memref<128x128xf32, #tpu.memory_space<vmem>>, vector<1x16xf32>,
    }
    %scan3A_5 = arith.constant 128 : i32
    %mul3A_6 = arith.constant 640 : i32
    %mul3A_7 = arith.muli %arg1, %mul3A_6 : i32
    %add3A_8 = arith.constant 0 : i32
    %add3A_9 = arith.addi %mul3A_7, %add3A_8 : i32
    "tpu.region"() ({
      %run_scoped3A = tpu.sem_alloc : memref<!tpu.dma_semaphore, #tpu.memory_space<semaphore_mem>>
      %dma_start3A = arith.constant 0 : i32
      %dma_start3A_42 = tpu.memref_slice %arg9[%add3A_9, %dma_start3A] : memref<10240x128xf32, #tpu.memory_space<vmem_shared>> -> memref<128x128xf32, #tpu.memory_space<vmem_shared>>
      %dma_start3A_43 = arith.constant 0 : i32
      %dma_start3A_44 = tpu.memref_slice %arg9[%add3A_9, %dma_start3A_43] : memref<10240x128xf32, #tpu.memory_space<vmem_shared>> -> memref<128x128xf32, #tpu.memory_space<vmem_shared>>
      tpu.enqueue_dma source(%arg8 : memref<128x128xf32, #tpu.memory_space<vmem>>) target(%dma_start3A_44 : memref<128x128xf32, #tpu.memory_space<vmem_shared>>) target_semaphore(%run_scoped3A : memref<!tpu.dma_semaphore, #tpu.memory_space<semaphore_mem>>)
      %dma_wait3A = arith.constant 0 : i32
      %dma_wait3A_45 = tpu.memref_slice %arg9[%add3A_9, %dma_wait3A] : memref<10240x128xf32, #tpu.memory_space<vmem_shared>> -> memref<128x128xf32, #tpu.memory_space<vmem_shared>>
      %dma_wait3A_46 = arith.constant 0 : i32
      %dma_wait3A_47 = tpu.memref_slice %arg9[%add3A_9, %dma_wait3A_46] : memref<10240x128xf32, #tpu.memory_space<vmem_shared>> -> memref<128x128xf32, #tpu.memory_space<vmem_shared>>
      tpu.wait_dma2 semaphore(%run_scoped3A : memref<!tpu.dma_semaphore, #tpu.memory_space<semaphore_mem>>) src(%arg8 : memref<128x128xf32, #tpu.memory_space<vmem>>) dst(%dma_wait3A_47 : memref<128x128xf32, #tpu.memory_space<vmem_shared>>)
      tpu.yield
    }) : () -> ()
    %mul3A_10 = arith.constant 640 : i32
    %mul3A_11 = arith.muli %arg1, %mul3A_10 : i32
    %add3A_12 = arith.constant 128 : i32
    %add3A_13 = arith.addi %mul3A_11, %add3A_12 : i32
    "tpu.region"() ({
      %run_scoped3A = tpu.sem_alloc : memref<!tpu.dma_semaphore, #tpu.memory_space<semaphore_mem>>
      %dma_start3A = arith.constant 0 : i32
      %dma_start3A_42 = tpu.memref_slice %arg9[%add3A_13, %dma_start3A] : memref<10240x128xf32, #tpu.memory_space<vmem_shared>> -> memref<128x128xf32, #tpu.memory_space<vmem_shared>>
      %dma_start3A_43 = arith.constant 0 : i32
      %dma_start3A_44 = tpu.memref_slice %arg9[%add3A_13, %dma_start3A_43] : memref<10240x128xf32, #tpu.memory_space<vmem_shared>> -> memref<128x128xf32, #tpu.memory_space<vmem_shared>>
      tpu.enqueue_dma source(%arg8 : memref<128x128xf32, #tpu.memory_space<vmem>>) target(%dma_start3A_44 : memref<128x128xf32, #tpu.memory_space<vmem_shared>>) target_semaphore(%run_scoped3A : memref<!tpu.dma_semaphore, #tpu.memory_space<semaphore_mem>>)
      %dma_wait3A = arith.constant 0 : i32
      %dma_wait3A_45 = tpu.memref_slice %arg9[%add3A_13, %dma_wait3A] : memref<10240x128xf32, #tpu.memory_space<vmem_shared>> -> memref<128x128xf32, #tpu.memory_space<vmem_shared>>
      %dma_wait3A_46 = arith.constant 0 : i32
      %dma_wait3A_47 = tpu.memref_slice %arg9[%add3A_13, %dma_wait3A_46] : memref<10240x128xf32, #tpu.memory_space<vmem_shared>> -> memref<128x128xf32, #tpu.memory_space<vmem_shared>>
      tpu.wait_dma2 semaphore(%run_scoped3A : memref<!tpu.dma_semaphore, #tpu.memory_space<semaphore_mem>>) src(%arg8 : memref<128x128xf32, #tpu.memory_space<vmem>>) dst(%dma_wait3A_47 : memref<128x128xf32, #tpu.memory_space<vmem_shared>>)
      tpu.yield
    }) : () -> ()
    %mul3A_14 = arith.constant 640 : i32
    %mul3A_15 = arith.muli %arg1, %mul3A_14 : i32
    %add3A_16 = arith.constant 256 : i32
    %add3A_17 = arith.addi %mul3A_15, %add3A_16 : i32
    "tpu.region"() ({
      %run_scoped3A = tpu.sem_alloc : memref<!tpu.dma_semaphore, #tpu.memory_space<semaphore_mem>>
      %dma_start3A = arith.constant 0 : i32
      %dma_start3A_42 = tpu.memref_slice %arg9[%add3A_17, %dma_start3A] : memref<10240x128xf32, #tpu.memory_space<vmem_shared>> -> memref<128x128xf32, #tpu.memory_space<vmem_shared>>
      %dma_start3A_43 = arith.constant 0 : i32
      %dma_start3A_44 = tpu.memref_slice %arg9[%add3A_17, %dma_start3A_43] : memref<10240x128xf32, #tpu.memory_space<vmem_shared>> -> memref<128x128xf32, #tpu.memory_space<vmem_shared>>
      tpu.enqueue_dma source(%arg8 : memref<128x128xf32, #tpu.memory_space<vmem>>) target(%dma_start3A_44 : memref<128x128xf32, #tpu.memory_space<vmem_shared>>) target_semaphore(%run_scoped3A : memref<!tpu.dma_semaphore, #tpu.memory_space<semaphore_mem>>)
      %dma_wait3A = arith.constant 0 : i32
      %dma_wait3A_45 = tpu.memref_slice %arg9[%add3A_17, %dma_wait3A] : memref<10240x128xf32, #tpu.memory_space<vmem_shared>> -> memref<128x128xf32, #tpu.memory_space<vmem_shared>>
      %dma_wait3A_46 = arith.constant 0 : i32
      %dma_wait3A_47 = tpu.memref_slice %arg9[%add3A_17, %dma_wait3A_46] : memref<10240x128xf32, #tpu.memory_space<vmem_shared>> -> memref<128x128xf32, #tpu.memory_space<vmem_shared>>
      tpu.wait_dma2 semaphore(%run_scoped3A : memref<!tpu.dma_semaphore, #tpu.memory_space<semaphore_mem>>) src(%arg8 : memref<128x128xf32, #tpu.memory_space<vmem>>) dst(%dma_wait3A_47 : memref<128x128xf32, #tpu.memory_space<vmem_shared>>)
      tpu.yield
    }) : () -> ()
    %mul3A_18 = arith.constant 640 : i32
    %mul3A_19 = arith.muli %arg1, %mul3A_18 : i32
    %add3A_20 = arith.constant 384 : i32
    %add3A_21 = arith.addi %mul3A_19, %add3A_20 : i32
    "tpu.region"() ({
      %run_scoped3A = tpu.sem_alloc : memref<!tpu.dma_semaphore, #tpu.memory_space<semaphore_mem>>
      %dma_start3A = arith.constant 0 : i32
      %dma_start3A_42 = tpu.memref_slice %arg9[%add3A_21, %dma_start3A] : memref<10240x128xf32, #tpu.memory_space<vmem_shared>> -> memref<128x128xf32, #tpu.memory_space<vmem_shared>>
      %dma_start3A_43 = arith.constant 0 : i32
      %dma_start3A_44 = tpu.memref_slice %arg9[%add3A_21, %dma_start3A_43] : memref<10240x128xf32, #tpu.memory_space<vmem_shared>> -> memref<128x128xf32, #tpu.memory_space<vmem_shared>>
      tpu.enqueue_dma source(%arg8 : memref<128x128xf32, #tpu.memory_space<vmem>>) target(%dma_start3A_44 : memref<128x128xf32, #tpu.memory_space<vmem_shared>>) target_semaphore(%run_scoped3A : memref<!tpu.dma_semaphore, #tpu.memory_space<semaphore_mem>>)
      %dma_wait3A = arith.constant 0 : i32
      %dma_wait3A_45 = tpu.memref_slice %arg9[%add3A_21, %dma_wait3A] : memref<10240x128xf32, #tpu.memory_space<vmem_shared>> -> memref<128x128xf32, #tpu.memory_space<vmem_shared>>
      %dma_wait3A_46 = arith.constant 0 : i32
      %dma_wait3A_47 = tpu.memref_slice %arg9[%add3A_21, %dma_wait3A_46] : memref<10240x128xf32, #tpu.memory_space<vmem_shared>> -> memref<128x128xf32, #tpu.memory_space<vmem_shared>>
      tpu.wait_dma2 semaphore(%run_scoped3A : memref<!tpu.dma_semaphore, #tpu.memory_space<semaphore_mem>>) src(%arg8 : memref<128x128xf32, #tpu.memory_space<vmem>>) dst(%dma_wait3A_47 : memref<128x128xf32, #tpu.memory_space<vmem_shared>>)
      tpu.yield
    }) : () -> ()
    %mul3A_22 = arith.constant 640 : i32
    %mul3A_23 = arith.muli %arg1, %mul3A_22 : i32
    %add3A_24 = arith.constant 512 : i32
    %add3A_25 = arith.addi %mul3A_23, %add3A_24 : i32
    "tpu.region"() ({
      %run_scoped3A = tpu.sem_alloc : memref<!tpu.dma_semaphore, #tpu.memory_space<semaphore_mem>>
      %dma_start3A = arith.constant 0 : i32
      %dma_start3A_42 = tpu.memref_slice %arg9[%add3A_25, %dma_start3A] : memref<10240x128xf32, #tpu.memory_space<vmem_shared>> -> memref<128x128xf32, #tpu.memory_space<vmem_shared>>
      %dma_start3A_43 = arith.constant 0 : i32
      %dma_start3A_44 = tpu.memref_slice %arg9[%add3A_25, %dma_start3A_43] : memref<10240x128xf32, #tpu.memory_space<vmem_shared>> -> memref<128x128xf32, #tpu.memory_space<vmem_shared>>
      tpu.enqueue_dma source(%arg8 : memref<128x128xf32, #tpu.memory_space<vmem>>) target(%dma_start3A_44 : memref<128x128xf32, #tpu.memory_space<vmem_shared>>) target_semaphore(%run_scoped3A : memref<!tpu.dma_semaphore, #tpu.memory_space<semaphore_mem>>)
      %dma_wait3A = arith.constant 0 : i32
      %dma_wait3A_45 = tpu.memref_slice %arg9[%add3A_25, %dma_wait3A] : memref<10240x128xf32, #tpu.memory_space<vmem_shared>> -> memref<128x128xf32, #tpu.memory_space<vmem_shared>>
      %dma_wait3A_46 = arith.constant 0 : i32
      %dma_wait3A_47 = tpu.memref_slice %arg9[%add3A_25, %dma_wait3A_46] : memref<10240x128xf32, #tpu.memory_space<vmem_shared>> -> memref<128x128xf32, #tpu.memory_space<vmem_shared>>
      tpu.wait_dma2 semaphore(%run_scoped3A : memref<!tpu.dma_semaphore, #tpu.memory_space<semaphore_mem>>) src(%arg8 : memref<128x128xf32, #tpu.memory_space<vmem>>) dst(%dma_wait3A_47 : memref<128x128xf32, #tpu.memory_space<vmem_shared>>)
      tpu.yield
    }) : () -> ()
    %barrier3A = arith.constant 0 : index
    tpu.barrier barrier_id(%barrier3A)
    %mul3A_26 = arith.constant 10112 : i32
    %mul3A_27 = arith.muli %add3A, %mul3A_26 : i32
    %scan3A_28 = arith.constant 0 : i32
    %scan3A_29 = arith.constant 0 : i32
    %scan3A_30 = arith.constant 79 : i32
    %scan3A_31 = arith.addi %scan3A_29, %scan3A_30 : i32
    %scan3A_32 = arith.constant 1 : i32
    scf.for %scan3A_42 = %scan3A_29 to %scan3A_31 step %scan3A_32  : i32 {
      %mul3A_43 = arith.constant 128 : i32
      %mul3A_44 = arith.muli %scan3A_42, %mul3A_43 : i32
      %add3A_45 = arith.addi %mul3A_27, %mul3A_44 : i32
      "tpu.region"() ({
        %run_scoped3A = tpu.sem_alloc : memref<!tpu.dma_semaphore, #tpu.memory_space<semaphore_mem>>
        %dma_start3A_50 = tpu.memref_slice %arg3[%add3A_45] : memref<323584xi32, #tpu.memory_space<hbm>> -> memref<128xi32, #tpu.memory_space<hbm>>
        %dma_start3A_51 = tpu.memref_slice %arg3[%add3A_45] : memref<323584xi32, #tpu.memory_space<hbm>> -> memref<128xi32, #tpu.memory_space<hbm>>
        tpu.enqueue_dma source(%dma_start3A_51 : memref<128xi32, #tpu.memory_space<hbm>>) target(%arg6 : memref<128xi32, #tpu.memory_space<vmem>>) target_semaphore(%run_scoped3A : memref<!tpu.dma_semaphore, #tpu.memory_space<semaphore_mem>>)
        %dma_wait3A_52 = tpu.memref_slice %arg3[%add3A_45] : memref<323584xi32, #tpu.memory_space<hbm>> -> memref<128xi32, #tpu.memory_space<hbm>>
        %dma_wait3A_53 = tpu.memref_slice %arg3[%add3A_45] : memref<323584xi32, #tpu.memory_space<hbm>> -> memref<128xi32, #tpu.memory_space<hbm>>
        tpu.wait_dma2 semaphore(%run_scoped3A : memref<!tpu.dma_semaphore, #tpu.memory_space<semaphore_mem>>) src(%dma_wait3A_53 : memref<128xi32, #tpu.memory_space<hbm>>) dst(%arg6 : memref<128xi32, #tpu.memory_space<vmem>>)
        tpu.yield
      }) : () -> ()
      "tpu.region"() ({
        %run_scoped3A = tpu.sem_alloc : memref<!tpu.dma_semaphore, #tpu.memory_space<semaphore_mem>>
        %dma_start3A_50 = tpu.memref_slice %arg4[%add3A_45] : memref<323584xi32, #tpu.memory_space<hbm>> -> memref<128xi32, #tpu.memory_space<hbm>>
        %dma_start3A_51 = tpu.memref_slice %arg4[%add3A_45] : memref<323584xi32, #tpu.memory_space<hbm>> -> memref<128xi32, #tpu.memory_space<hbm>>
        tpu.enqueue_dma source(%dma_start3A_51 : memref<128xi32, #tpu.memory_space<hbm>>) target(%arg7 : memref<128xi32, #tpu.memory_space<vmem>>) target_semaphore(%run_scoped3A : memref<!tpu.dma_semaphore, #tpu.memory_space<semaphore_mem>>)
        %dma_wait3A_52 = tpu.memref_slice %arg4[%add3A_45] : memref<323584xi32, #tpu.memory_space<hbm>> -> memref<128xi32, #tpu.memory_space<hbm>>
        %dma_wait3A_53 = tpu.memref_slice %arg4[%add3A_45] : memref<323584xi32, #tpu.memory_space<hbm>> -> memref<128xi32, #tpu.memory_space<hbm>>
        tpu.wait_dma2 semaphore(%run_scoped3A : memref<!tpu.dma_semaphore, #tpu.memory_space<semaphore_mem>>) src(%dma_wait3A_53 : memref<128xi32, #tpu.memory_space<hbm>>) dst(%arg7 : memref<128xi32, #tpu.memory_space<vmem>>)
        tpu.yield
      }) : () -> ()
      %dma_start3A = arith.constant 0 : i32
      %dma_start3A_46 = arith.constant 0 : i32
      %dma_start3A_47 = tpu.memref_slice %arg2[%dma_start3A, %dma_start3A_46] : memref<10000x128xf32, #tpu.memory_space<hbm>> -> memref<10000x128xf32, #tpu.memory_space<hbm>>
      tpu.enqueue_indirect_dma source(%dma_start3A_47 : memref<10000x128xf32, #tpu.memory_space<hbm>>) target(%arg8 : memref<128x128xf32, #tpu.memory_space<vmem>>) offsets(%arg6 : memref<128xi32, #tpu.memory_space<vmem>>) semaphore(%arg10 : memref<!tpu.dma_semaphore, #tpu.memory_space<semaphore_mem>>)
      %dma_wait3A = arith.constant 0 : i32
      %dma_wait3A_48 = arith.constant 0 : i32
      %dma_wait3A_49 = tpu.memref_slice %arg2[%dma_wait3A, %dma_wait3A_48] : memref<10000x128xf32, #tpu.memory_space<hbm>> -> memref<10000x128xf32, #tpu.memory_space<hbm>>
      tpu.wait_indirect_dma semaphore(%arg10 : memref<!tpu.dma_semaphore, #tpu.memory_space<semaphore_mem>>) src(%dma_wait3A_49 : memref<10000x128xf32, #tpu.memory_space<hbm>>) dst(%arg8 : memref<128x128xf32, #tpu.memory_space<vmem>>)
      "tpu.region"() ({
        %run_scoped3A = tpu.sem_alloc : memref<!tpu.dma_semaphore, #tpu.memory_space<semaphore_mem>>
        %dma_start3A_50 = arith.constant 0 : i32
        %dma_start3A_51 = arith.constant 0 : i32
        %dma_start3A_52 = tpu.memref_slice %arg9[%dma_start3A_50, %dma_start3A_51] : memref<10240x128xf32, #tpu.memory_space<vmem_shared>> -> memref<10240x128xf32, #tpu.memory_space<vmem_shared>>
        tpu.enqueue_indirect_dma source(%arg8 : memref<128x128xf32, #tpu.memory_space<vmem>>) target(%dma_start3A_52 : memref<10240x128xf32, #tpu.memory_space<vmem_shared>>) offsets(%arg7 : memref<128xi32, #tpu.memory_space<vmem>>) semaphore(%run_scoped3A : memref<!tpu.dma_semaphore, #tpu.memory_space<semaphore_mem>>) {add = true}
        %dma_wait3A_53 = arith.constant 0 : i32
        %dma_wait3A_54 = arith.constant 0 : i32
        %dma_wait3A_55 = tpu.memref_slice %arg9[%dma_wait3A_53, %dma_wait3A_54] : memref<10240x128xf32, #tpu.memory_space<vmem_shared>> -> memref<10240x128xf32, #tpu.memory_space<vmem_shared>>
        tpu.wait_indirect_dma semaphore(%run_scoped3A : memref<!tpu.dma_semaphore, #tpu.memory_space<semaphore_mem>>) src(%arg8 : memref<128x128xf32, #tpu.memory_space<vmem>>) dst(%dma_wait3A_55 : memref<10240x128xf32, #tpu.memory_space<vmem_shared>>)
        tpu.yield
      }) : () -> ()
    }
    %scan3A_33 = arith.constant 79 : i32
    %barrier3A_34 = arith.constant 0 : index
    tpu.barrier barrier_id(%barrier3A_34)
    %mul3A_35 = arith.constant 640 : i32
    %mul3A_36 = arith.muli %arg1, %mul3A_35 : i32
    %mul3A_37 = arith.constant 10240 : i32
    %mul3A_38 = arith.muli %arg0, %mul3A_37 : i32
    %mul3A_39 = arith.constant 640 : i32
    %mul3A_40 = arith.muli %arg1, %mul3A_39 : i32
    %add3A_41 = arith.addi %mul3A_38, %mul3A_40 : i32
    "tpu.region"() ({
      %run_scoped3A = tpu.sem_alloc : memref<!tpu.dma_semaphore, #tpu.memory_space<semaphore_mem>>
      %dma_start3A = arith.constant 0 : i32
      %dma_start3A_42 = tpu.memref_slice %arg5[%add3A_41, %dma_start3A] : memref<20480x128xf32, #tpu.memory_space<hbm>> -> memref<640x128xf32, #tpu.memory_space<hbm>>
      %dma_start3A_43 = arith.constant 0 : i32
      %dma_start3A_44 = tpu.memref_slice %arg9[%mul3A_36, %dma_start3A_43] : memref<10240x128xf32, #tpu.memory_space<vmem_shared>> -> memref<640x128xf32, #tpu.memory_space<vmem_shared>>
      tpu.enqueue_dma source(%dma_start3A_44 : memref<640x128xf32, #tpu.memory_space<vmem_shared>>) target(%dma_start3A_42 : memref<640x128xf32, #tpu.memory_space<hbm>>) target_semaphore(%run_scoped3A : memref<!tpu.dma_semaphore, #tpu.memory_space<semaphore_mem>>)
      %dma_wait3A = arith.constant 0 : i32
      %dma_wait3A_45 = tpu.memref_slice %arg5[%add3A_41, %dma_wait3A] : memref<20480x128xf32, #tpu.memory_space<hbm>> -> memref<640x128xf32, #tpu.memory_space<hbm>>
      %dma_wait3A_46 = arith.constant 0 : i32
      %dma_wait3A_47 = tpu.memref_slice %arg9[%mul3A_36, %dma_wait3A_46] : memref<10240x128xf32, #tpu.memory_space<vmem_shared>> -> memref<640x128xf32, #tpu.memory_space<vmem_shared>>
      tpu.wait_dma2 semaphore(%run_scoped3A : memref<!tpu.dma_semaphore, #tpu.memory_space<semaphore_mem>>) src(%dma_wait3A_47 : memref<640x128xf32, #tpu.memory_space<vmem_shared>>) dst(%dma_wait3A_45 : memref<640x128xf32, #tpu.memory_space<hbm>>)
      tpu.yield
    }) : () -> ()
    return
  }
}

module attributes {stable_mosaic.version = 14 : i64} {
  func.func @_tc1_body(%arg0: memref<10000x128xf32, #tpu.memory_space<vmem>>, %arg1: memref<128x128xf32, #tpu.memory_space<vmem>>, %arg2: memref<10000x1xf32, #tpu.memory_space<vmem>>, %arg3: memref<10000x128xf32, #tpu.memory_space<vmem>>) attributes {dimension_semantics = [], scalar_prefetch = 0 : i64, scratch_operands = 0 : i64, tpu.core_type = #tpu.core_type<tc>} {
    %get3A = arith.constant 0 : index
    %get3A_0 = arith.constant 0 : index
    %get3A_1 = vector.load %arg0[%get3A, %get3A_0] : memref<10000x128xf32, #tpu.memory_space<vmem>>, vector<10000x128xf32>
    %get3A_2 = arith.constant 0 : index
    %get3A_3 = arith.constant 0 : index
    %get3A_4 = vector.load %arg1[%get3A_2, %get3A_3] : memref<128x128xf32, #tpu.memory_space<vmem>>, vector<128x128xf32>
    %dot_general3A = arith.constant dense<0.000000e+00> : vector<10000x128xf32>
    %dot_general3A_5 = tpu.matmul %get3A_1, %get3A_4, %dot_general3A {dimension_numbers = #tpu.dot_dimension_numbers<[1], [0], [0], [1], [0, 0, 1, 1], [], []>, transpose_lhs_hint = false} : vector<10000x128xf32>, vector<128x128xf32>, vector<10000x128xf32> -> vector<10000x128xf32>
    %get3A_6 = arith.constant 0 : index
    %get3A_7 = arith.constant 0 : index
    %get3A_8 = vector.load %arg2[%get3A_6, %get3A_7] : memref<10000x1xf32, #tpu.memory_space<vmem>>, vector<10000x1xf32>
    %mul3A = vector.broadcast %get3A_8 : vector<10000x1xf32> to vector<10000x128xf32>
    %mul3A_9 = arith.mulf %dot_general3A_5, %mul3A : vector<10000x128xf32>
    %swap3A = arith.constant 0 : index
    %swap3A_10 = arith.constant 0 : index
    %swap3A_11 = vector.load %arg3[%swap3A, %swap3A_10] : memref<10000x128xf32, #tpu.memory_space<vmem>>, vector<10000x128xf32>
    tpu.vector_store %arg3[%swap3A, %swap3A_10], %mul3A_9 {strides = array<i32>} : memref<10000x128xf32, #tpu.memory_space<vmem>>, vector<10000x128xf32>,
    return
  }
}

module attributes {stable_mosaic.version = 14 : i64} {
  func.func @_tc2_body(%arg0: memref<20480x128xf32, #tpu.memory_space<vmem>>, %arg1: memref<10000x128xf32, #tpu.memory_space<vmem>>, %arg2: memref<10000x1xf32, #tpu.memory_space<vmem>>, %arg3: memref<1x128xf32, #tpu.memory_space<vmem>>, %arg4: memref<128x128xf32, #tpu.memory_space<vmem>>, %arg5: memref<10000x128xf32, #tpu.memory_space<vmem>>) attributes {dimension_semantics = [], scalar_prefetch = 0 : i64, scratch_operands = 0 : i64, tpu.core_type = #tpu.core_type<tc>} {
    %get3A = arith.constant 0 : index
    %get3A_0 = arith.constant 0 : index
    %get3A_1 = vector.load %arg0[%get3A, %get3A_0] : memref<20480x128xf32, #tpu.memory_space<vmem>>, vector<10000x128xf32>
    %get3A_2 = arith.constant 10240 : index
    %get3A_3 = arith.constant 0 : index
    %get3A_4 = vector.load %arg0[%get3A_2, %get3A_3] : memref<20480x128xf32, #tpu.memory_space<vmem>>, vector<10000x128xf32>
    %add3A = arith.addf %get3A_1, %get3A_4 : vector<10000x128xf32>
    %get3A_5 = arith.constant 0 : index
    %get3A_6 = arith.constant 0 : index
    %get3A_7 = vector.load %arg1[%get3A_5, %get3A_6] : memref<10000x128xf32, #tpu.memory_space<vmem>>, vector<10000x128xf32>
    %add3A_8 = arith.addf %add3A, %get3A_7 : vector<10000x128xf32>
    %get3A_9 = arith.constant 0 : index
    %get3A_10 = arith.constant 0 : index
    %get3A_11 = vector.load %arg2[%get3A_9, %get3A_10] : memref<10000x1xf32, #tpu.memory_space<vmem>>, vector<10000x1xf32>
    %mul3A = vector.broadcast %get3A_11 : vector<10000x1xf32> to vector<10000x128xf32>
    %mul3A_12 = arith.mulf %add3A_8, %mul3A : vector<10000x128xf32>
    %get3A_13 = arith.constant 0 : index
    %get3A_14 = arith.constant 0 : index
    %get3A_15 = vector.load %arg3[%get3A_13, %get3A_14] : memref<1x128xf32, #tpu.memory_space<vmem>>, vector<1x128xf32>
    %add3A_16 = vector.broadcast %get3A_15 : vector<1x128xf32> to vector<10000x128xf32>
    %add3A_17 = arith.addf %mul3A_12, %add3A_16 : vector<10000x128xf32>
    %max3A = arith.constant 0.000000e+00 : f32
    %max3A_18 = vector.broadcast %max3A : f32 to vector<10000x128xf32>
    %max3A_19 = arith.maximumf %add3A_17, %max3A_18 : vector<10000x128xf32>
    %get3A_20 = arith.constant 0 : index
    %get3A_21 = arith.constant 0 : index
    %get3A_22 = vector.load %arg4[%get3A_20, %get3A_21] : memref<128x128xf32, #tpu.memory_space<vmem>>, vector<128x128xf32>
    %dot_general3A = arith.constant dense<0.000000e+00> : vector<10000x128xf32>
    %dot_general3A_23 = tpu.matmul %max3A_19, %get3A_22, %dot_general3A {dimension_numbers = #tpu.dot_dimension_numbers<[1], [0], [0], [1], [0, 0, 1, 1], [], []>, transpose_lhs_hint = false} : vector<10000x128xf32>, vector<128x128xf32>, vector<10000x128xf32> -> vector<10000x128xf32>
    %get3A_24 = arith.constant 0 : index
    %get3A_25 = arith.constant 0 : index
    %get3A_26 = vector.load %arg2[%get3A_24, %get3A_25] : memref<10000x1xf32, #tpu.memory_space<vmem>>, vector<10000x1xf32>
    %mul3A_27 = vector.broadcast %get3A_26 : vector<10000x1xf32> to vector<10000x128xf32>
    %mul3A_28 = arith.mulf %dot_general3A_23, %mul3A_27 : vector<10000x128xf32>
    %swap3A = arith.constant 0 : index
    %swap3A_29 = arith.constant 0 : index
    %swap3A_30 = vector.load %arg5[%swap3A, %swap3A_29] : memref<10000x128xf32, #tpu.memory_space<vmem>>, vector<10000x128xf32>
    tpu.vector_store %arg5[%swap3A, %swap3A_29], %mul3A_28 {strides = array<i32>} : memref<10000x128xf32, #tpu.memory_space<vmem>>, vector<10000x128xf32>,
    return
  }
}

module attributes {stable_mosaic.version = 14 : i64} {
  func.func @_tc3_body(%arg0: memref<20480x128xf32, #tpu.memory_space<vmem>>, %arg1: memref<10000x128xf32, #tpu.memory_space<vmem>>, %arg2: memref<10000x1xf32, #tpu.memory_space<vmem>>, %arg3: memref<1x128xf32, #tpu.memory_space<vmem>>, %arg4: memref<128x1xf32, #tpu.memory_space<vmem>>, %arg5: memref<1x1xf32, #tpu.memory_space<vmem>>, %arg6: memref<10000x1xf32, #tpu.memory_space<vmem>>) attributes {dimension_semantics = [], scalar_prefetch = 0 : i64, scratch_operands = 0 : i64, tpu.core_type = #tpu.core_type<tc>} {
    %get3A = arith.constant 0 : index
    %get3A_0 = arith.constant 0 : index
    %get3A_1 = vector.load %arg0[%get3A, %get3A_0] : memref<20480x128xf32, #tpu.memory_space<vmem>>, vector<10000x128xf32>
    %get3A_2 = arith.constant 10240 : index
    %get3A_3 = arith.constant 0 : index
    %get3A_4 = vector.load %arg0[%get3A_2, %get3A_3] : memref<20480x128xf32, #tpu.memory_space<vmem>>, vector<10000x128xf32>
    %add3A = arith.addf %get3A_1, %get3A_4 : vector<10000x128xf32>
    %get3A_5 = arith.constant 0 : index
    %get3A_6 = arith.constant 0 : index
    %get3A_7 = vector.load %arg1[%get3A_5, %get3A_6] : memref<10000x128xf32, #tpu.memory_space<vmem>>, vector<10000x128xf32>
    %add3A_8 = arith.addf %add3A, %get3A_7 : vector<10000x128xf32>
    %get3A_9 = arith.constant 0 : index
    %get3A_10 = arith.constant 0 : index
    %get3A_11 = vector.load %arg2[%get3A_9, %get3A_10] : memref<10000x1xf32, #tpu.memory_space<vmem>>, vector<10000x1xf32>
    %mul3A = vector.broadcast %get3A_11 : vector<10000x1xf32> to vector<10000x128xf32>
    %mul3A_12 = arith.mulf %add3A_8, %mul3A : vector<10000x128xf32>
    %get3A_13 = arith.constant 0 : index
    %get3A_14 = arith.constant 0 : index
    %get3A_15 = vector.load %arg3[%get3A_13, %get3A_14] : memref<1x128xf32, #tpu.memory_space<vmem>>, vector<1x128xf32>
    %add3A_16 = vector.broadcast %get3A_15 : vector<1x128xf32> to vector<10000x128xf32>
    %add3A_17 = arith.addf %mul3A_12, %add3A_16 : vector<10000x128xf32>
    %max3A = arith.constant 0.000000e+00 : f32
    %max3A_18 = vector.broadcast %max3A : f32 to vector<10000x128xf32>
    %max3A_19 = arith.maximumf %add3A_17, %max3A_18 : vector<10000x128xf32>
    %get3A_20 = arith.constant 0 : index
    %get3A_21 = arith.constant 0 : index
    %get3A_22 = vector.load %arg4[%get3A_20, %get3A_21] : memref<128x1xf32, #tpu.memory_space<vmem>>, vector<128x1xf32>
    %dot_general3A = arith.constant dense<0.000000e+00> : vector<10000x1xf32>
    %dot_general3A_23 = tpu.matmul %max3A_19, %get3A_22, %dot_general3A {dimension_numbers = #tpu.dot_dimension_numbers<[1], [0], [0], [1], [0, 0, 1, 1], [], []>, transpose_lhs_hint = false} : vector<10000x128xf32>, vector<128x1xf32>, vector<10000x1xf32> -> vector<10000x1xf32>
    %get3A_24 = arith.constant 0 : index
    %get3A_25 = arith.constant 0 : index
    %get3A_26 = vector.load %arg5[%get3A_24, %get3A_25] : memref<1x1xf32, #tpu.memory_space<vmem>>, vector<1x1xf32>
    %add3A_27 = vector.broadcast %get3A_26 : vector<1x1xf32> to vector<10000x1xf32>
    %add3A_28 = arith.addf %dot_general3A_23, %add3A_27 : vector<10000x1xf32>
    %logistic3A = arith.negf %add3A_28 : vector<10000x1xf32>
    %logistic3A_29 = math.exp %logistic3A : vector<10000x1xf32>
    %logistic3A_30 = arith.constant 1.000000e+00 : f32
    %logistic3A_31 = vector.broadcast %logistic3A_30 : f32 to vector<10000x1xf32>
    %logistic3A_32 = arith.addf %logistic3A_31, %logistic3A_29 : vector<10000x1xf32>
    %logistic3A_33 = arith.divf %logistic3A_31, %logistic3A_32 : vector<10000x1xf32>
    %swap3A = arith.constant 0 : index
    %swap3A_34 = arith.constant 0 : index
    %swap3A_35 = vector.load %arg6[%swap3A, %swap3A_34] : memref<10000x1xf32, #tpu.memory_space<vmem>>, vector<10000x1xf32>
    tpu.vector_store %arg6[%swap3A, %swap3A_34], %logistic3A_33 {strides = array<i32>} : memref<10000x1xf32, #tpu.memory_space<vmem>>, vector<10000x1xf32>,
    return
  }
}

</mosaic_0001>

<sc_bundles>
// kernel: kernel.11.cloned.1.call-start
scs
__scs_entry_jumppad:
0x0: {  	(pc) =	sbr.rel $0x88, $3  }
0x1: {  	(tag) =	ssettag $0x0;
	lr =	simm.s32 $0x1  }
0x2: {  	[smem:$0x3F99] =	sst lr;
	_ =	strace $0xD0000000  }
0x3: {  	_ = 	snop  }
0x4: {  	_ = 	snop  }
0x5: {  	_ = 	snop  }
0x6: {  	_ = 	snop  }
0x7: {  	_ = 	snop  }
__scs_overlays_trampoline_lowered:
0x8: {  	[smem:$0x3FA8] =	sst s0  }
0x9: {  	[smem:$0x3FA9] =	sst s1  }
0xa: {  	[smem:$0x3FAA] =	sst s2  }
0xb: {  	[smem:$0x3FAB] =	sst s3  }
0xc: {  	[smem:$0x3FAC] =	sst s4  }
0xd: {  	[smem:$0x3FAD] =	sst s5  }
0xe: {  	[smem:$0x3FAE] =	sst s6  }
0xf: {  	[smem:$0x3FAF] =	sst s7  }
0x10: {  	[smem:$0x3FB0] =	sst s8  }
0x11: {  	[smem:$0x3FB1] =	sst s9;
	s0 =	simm.s32 @!p0 $0x0  }
0x12: {  	s1 =	sld [smem:$0x3F97];
	s0 =	simm.s32 @p0 $0x1  }
0x13: {  	[smem:$0x3FB2] =	sst s0;
	s0 =	simm.s32 @!p1 $0x0  }
0x14: {  	s2 =	sld [smem:$0x3F96];
	s0 =	simm.s32 @p1 $0x1  }
0x15: {  	[smem:$0x3FB3] =	sst s0;
	s0 =	simm.s32 @!p2 $0x0  }
0x16: {  	s3 =	sld [smem:$0x3FDB];
	s0 =	simm.s32 @p2 $0x1  }
0x17: {  	s4 =	simm.s32 $0x1BF5;
	[smem:$0x3FB5] =	sst s0  }
0x18: {  	s0 =	sld [smem:$0x3F98];
	_ =	swait.ge [sflag:s4], $0x0  }
0x19: {  	s7 =	sld [smem:$0x3F99]  }
0x1a: {  	s8 =	sadd.s32 $0xFFFFE003, lr  }
0x1b: {  	s9 =	sadd.s32 $0xFFFFFEF7, lr;
	s5 =	simm.s32 $0xFFFFFFFF;
	p2 =	slt.u32 s8, $0xFFFFF086  }
0x1c: {  	p1 =	slt.u32 s9, $0xF7A;
	s5 =	simm.s32 @!p2 $0x0  }
0x1d: {  	s5 =	simm.s32 @p1 $0x1;
	p0 =	seq.s32 s7, s2  }
0x1e: {  	s7 =	smul.u32 @!p0 $0xF7A, s2;
	p2 =	seq.s32 @!p0 s5, $0x0  }
0x1f: {  	s9 =	smul.u32 $0xF7A, s1;
	s8 =	simm.s32 @!p0 $0x1BF5;
	p2 =	por !p2, p0  }
0x20: {  	[sflag:s8] =	ssyncset.s32 @!p0 $0xFFFFF086;
	s6 =	sadd.s32 @!p0 s3, s7;
	s7 =	simm.s32 @!p0 $0x108  }
0x21: {  	s3 =	sadd.s32 s3, s9;
	s6 =	sadd.s32 @!p0 $0x88, s6;
	s7 =	simm.s32 @p2 $0x1082  }
0x22: {  	[simem:s7], [sflag:s8] =	dma.local @!p0 [hbm:s6], $0xF7A  }
0x23: {  	s9 =	sor.u32 $0xD0000000, s2;
	s6 =	simm.s32 $0x108;
	_ =	swait.ge @!p0 [sflag:s8], $0x0  }
0x24: {  	s3 =	sadd.s32 $0x88, s3;
	s6 =	simm.s32 @!p1 $0x1082;
	[sflag:s4] =	ssyncset.s32 $0xFFFFF086  }
0x25: {  	[simem:s6], [sflag:s4] =	dma.local [hbm:s3], $0xF7A  }
0x26: {  	[smem:$0x3F99] =	sst s1;
	(tag) =	ssettag s2;
	_ =	strace s9  }
0x27: {  	s1 =	sld [smem:$0x3FA9]  }
0x28: {  	s2 =	sld [smem:$0x3FAA]  }
0x29: {  	s4 =	sld [smem:$0x3FAC]  }
0x2a: {  	p0 =	seq.s32 s5, $0x0;
	s5 =	sld [smem:$0x3FAD]  }
0x2b: {  	s6 =	sld [smem:$0x3FAE]  }
0x2c: {  	s7 =	sld [smem:$0x3FAF]  }
0x2d: {  	s3 =	simm.s32 $0x108;
	s8 =	sld [smem:$0x3FB0]  }
0x2e: {  	s3 =	simm.s32 @!p0 $0x1082;
	s9 =	sld [smem:$0x3FB1]  }
0x2f: {  	lr =	sadd.s32 s0, s3;
	s0 =	sld [smem:$0x3FA8]  }
0x30: {  	s3 =	sld [smem:$0x3FAB]  }
0x31: {  	[smem:$0x3FB4] =	sst s10  }
0x32: {  	s10 =	sld [smem:$0x3FB2];
	_ =	sdelay $0x3  }
0x33: {  	p0 =	seq.s32 s10, $0x1;
	s10 =	sld [smem:$0x3FB4];
	_ =	sdelay $0x3  }
0x34: {  	[smem:$0x3FB4] =	sst s10  }
0x35: {  	s10 =	sld [smem:$0x3FB3];
	_ =	sdelay $0x3  }
0x36: {  	p1 =	seq.s32 s10, $0x1;
	s10 =	sld [smem:$0x3FB4];
	_ =	sdelay $0x3  }
0x37: {  	[smem:$0x3FB4] =	sst s10  }
0x38: {  	s10 =	sld [smem:$0x3FB5]  }
0x39: {  	_ = 	snop;
	(pc) =	sbr.ind lr, $3  }
0x3a: {  	_ = 	snop  }
0x3b: {  	_ = 	snop  }
0x3c: {  	p2 =	seq.s32 s10, $0x1;
	s10 =	sld [smem:$0x3FB4]  }
0x3d: {  	_ =	shalt  }
0x3e: {  	_ =	shalt  }
0x3f: {  	_ =	shalt  }
0x40: {  	_ =	shalt  }
0x41: {  	_ =	shalt  }
0x42: {  	_ =	shalt  }
0x43: {  	_ =	shalt  }
0x44: {  	_ =	shalt  }
0x45: {  	_ =	shalt  }
0x46: {  	_ =	shalt  }
0x47: {  	_ =	shalt  }
0x48: {  	_ =	shalt  }
0x49: {  	_ =	shalt  }
0x4a: {  	_ =	shalt  }
0x4b: {  	_ =	shalt  }
0x4c: {  	_ =	shalt  }
0x4d: {  	_ =	shalt  }
0x4e: {  	_ =	shalt  }
0x4f: {  	_ =	shalt  }
0x50: {  	_ =	shalt  }
0x51: {  	_ =	shalt  }
0x52: {  	_ =	shalt  }
0x53: {  	_ =	shalt  }
0x54: {  	_ =	shalt  }
0x55: {  	_ =	shalt  }
0x56: {  	_ =	shalt  }
0x57: {  	_ =	shalt  }
0x58: {  	_ =	shalt  }
0x59: {  	_ =	shalt  }
0x5a: {  	_ =	shalt  }
0x5b: {  	_ =	shalt  }
0x5c: {  	_ =	shalt  }
0x5d: {  	_ =	shalt  }
0x5e: {  	_ =	shalt  }
0x5f: {  	_ =	shalt  }
0x60: {  	_ =	shalt  }
0x61: {  	_ =	shalt  }
0x62: {  	_ =	shalt  }
0x63: {  	_ =	shalt  }
0x64: {  	_ =	shalt  }
0x65: {  	_ =	shalt  }
0x66: {  	_ =	shalt  }
0x67: {  	_ =	shalt  }
0x68: {  	_ =	shalt  }
0x69: {  	_ =	shalt  }
0x6a: {  	_ =	shalt  }
0x6b: {  	_ =	shalt  }
0x6c: {  	_ =	shalt  }
0x6d: {  	_ =	shalt  }
0x6e: {  	_ =	shalt  }
0x6f: {  	_ =	shalt  }
0x70: {  	_ =	shalt  }
0x71: {  	_ =	shalt  }
0x72: {  	_ =	shalt  }
0x73: {  	_ =	shalt  }
0x74: {  	_ =	shalt  }
0x75: {  	_ =	shalt  }
0x76: {  	_ =	shalt  }
0x77: {  	_ =	shalt  }
0x78: {  	_ =	shalt  }
0x79: {  	_ =	shalt  }
0x7a: {  	_ =	shalt  }
0x7b: {  	_ =	shalt  }
0x7c: {  	_ =	shalt  }
0x7d: {  	_ =	shalt  }
0x7e: {  	_ =	shalt  }
0x7f: {  	_ =	shalt  }
0x80: {  	_ =	shalt  }
0x81: {  	_ =	shalt  }
0x82: {  	_ =	shalt  }
0x83: {  	_ =	shalt  }
0x84: {  	_ =	shalt  }
0x85: {  	_ =	shalt  }
0x86: {  	_ =	shalt  }
0x87: {  	_ =	shalt  }
.Lfunc_end0:
.L_simem_size_0:
called_computation.1_lowered:
.L_overlay_start_0:
0x88: {  	s2 =	sld [smem:$0x3FD9]  }
0x89: {  	s3 =	sld [smem:$0x3FFE];
	_ =	sdelay $0x1  }
0x8a: {  	s1 =	srdreg.scid  }
0x8b: {  	s0 =	sand.u32 $0x1, s1  }
0x8c: {  	s16 =	sshll.u32 s0, $0xA;
	s2 =	sadd.s32 s3, s2  }
0x8d: {  	s2 =	sadd.s32 s2, s16  }
0x8e: {  	[smem:$0x3FC0] =	sst s2  }
0x8f: {  	_ = 	snop  }
0x90: {  	(tm) =	ssettm $0x1  }
0x91: {  	s17 =	sld [smem:$0x3FFB];
	_ =	sdelay $0x3  }
0x92: {  	_ =	strace s17  }
0x93: {  	s2 =	sld [smem:$0x3FFC];
	_ =	sdelay $0x3  }
0x94: {  	_ =	strace s2  }
0x95: {  	s2 =	sld [smem:$0x3FFD];
	_ =	sdelay $0x3  }
0x96: {  	_ =	strace s2  }
0x97: {  	_ =	strace $0x8FFFFFFF  }
0x98: {  	s18 =	sld [smem:$0x3FDB];
	_ =	sdelay $0x1  }
0x99: {  	s19 =	simm.s32 $_scs_section_size  }
0x9a: {  	s4 =	simm.s32 $_size__tile_overlayer_lowered;
	s5 =	simm.s32 $_tile_overlayer_lowered  }
0x9b: {  	s22 =	simm.s32 $0x1BFF;
	s21 =	sshll.u32 s5, $0x1;
	s2 =	sadd.s32 s19, s18  }
0x9c: {  	s6 =	simm.s32 $0x0;
	s20 =	sshll.u32 s4, $0x1;
	s4 =	sadd.s32 s21, s2  }
0x9d: {  	[timem:s6], [sflag:s22] =	dma.local [hbm:s4], s20  }
0x9e: {  	_ =	swait.ge [sflag:s22], s20  }
0x9f: {  	s3 =	ssub.s32 $0x0, s20;
	[sflag:s22] =	ssyncset.done $0x0  }
0xa0: {  	[sflag:s22] =	ssyncadd.s32 s3;
	_ =	sdelay $0x1  }
0xa1: {  	s23 =	simm.s32 $0x1B8B  }
0xa2: {  	_ =	swait.ge [sflag:s23], $0x1  }
0xa3: {  	[sflag:s23] =	ssyncset.done $0x0  }
0xa4: {  	s25 =	simm.s32 $0x1B8E;
	s24 =	sld [smem:$0x3FFE];
	[sflag:s23] =	ssyncadd.s32 $0xFFFFFFFF  }
0xa5: {  	s26 =	simm.s32 $execute0_lowered;
	[smem:$0x3FD2] =	sst s25  }
0xa6: {  	s4 =	sshll.u32 s26, $0x1;
	_ =	strace $0x80000049;
	[dreg:$0x1] =	wrdreg $0xFFFFFFFF  }
0xa7: {  	s28 =	simm.s32 $_size_execute0_lowered;
	s2 =	sadd.s32 s2, s4;
	[dreg:$0x0] =	wrdreg $0x0  }
0xa8: {  	s4 =	sshll.u32 s28, $0x1;
	[dreg:$0x2] =	wrdreg s2  }
0xa9: {  	[dreg:$0x3] =	wrdreg s4  }
0xaa: {  	[dreg:$0x4] =	wrdreg $0xC0  }
0xab: {  	_ =	task [dreg:s6], $0x5FFFF  }
0xac: {  	[dreg:$0x1] =	wrdreg $0xFFFFFFFF  }
0xad: {  	[dreg:$0x0] =	wrdreg $0x60  }
0xae: {  	[dreg:$0x2] =	wrdreg s24  }
0xaf: {  	[dreg:$0x3] =	wrdreg $0x41000  }
0xb0: {  	[dreg:$0x4] =	wrdreg $0x9  }
0xb1: {  	_ =	task.clear_ibuf [dreg:s6], $0x5FFFF;
	_ =	strace $0x90000049  }
0xb2: {  	s29 =	simm.s32 $0x9;
	_ =	strace $0x8000004B  }
0xb3: {  	_ =	swait.ge [sflag:s29], $0x1  }
0xb4: {  	[sflag:s29] =	ssyncadd.s32 $0xFFFFFFFF  }
0xb5: {  	_ =	strace $0x9000004B  }
0xb6: {  	_ =	sfence  }
0xb7: {  	s30 =	sld [smem:$0x0];
	_ =	sdelay $0x2  }
0xb8: {  	s31 =	sshll.u32 s1, $0xD;
	s1 =	sshrl.u32 s1, $0x2  }
0xb9: {  	s3 =	sand.u32 $0x4000, s31;
	s1 =	sadd.s32 s1, s30  }
0xba: {  	s0 =	sor.u32 s3, s0;
	s1 =	sshll.u32 s1, $0x11  }
0xbb: {  	s0 =	sor.u32 s1, s0  }
0xbc: {  	s0 =	sadd.s32 $0x8F2B, s0  }
0xbd: {  	[sflag:s0] =	ssyncadd.remote.s32 $0x1  }
0xbe: {  	_ =	sfence.sel $0xFFFF  }
0xbf: {  	[dreg:$0x0] =	wrdreg $0xFFFFFFFF;
	(pc) =	sbr.abs _section_cstart, $3  }
0xc0: {  	[dreg:$0x1] =	wrdreg $0xFFFFFFFF  }
0xc1: {  	_ =	task.clear_ibuf [dreg:s6], $0x2FFFF;
	_ =	strace $0x9FFFFFFF  }
0xc2: {  	(tm) =	ssettm $0x7FFFFFFF  }
0xc3: {  	_ =	shalt  }
tec
execute0_lowered:
.L_overlay_start_1:
0x0: {  	(tag) =	ssettag $0x1  }
0x1: {  	s5 =	rddreg [dreg:$0x0];
	s0 =	srdreg.scid  }
0x2: {  	s2 =	rddreg [dreg:$0x1];
	s1 =	stileid.u32  }
0x3: {  	s3 =	simm.s32 $0x0;
	s15 =	simm.s32 $0x2;
	s8 =	smul.u32 $0x2800, s1  }
0x4: {  	s16 =	simm.s32 $0x80;
	s17 =	simm.s32 $0x1;
	s10 =	smul.u32 $0x50000, s1  }
0x5: {  	s6 =	sand.u32 $0x1, s0;
	s0 =	rddreg [dreg:$0x2];
	s31 =	smul.u32 $0x4F0, s1  }
0x6: {  	s20 =	simm.s32 $0x0;
	[smem:$0x7FF] =	sst s3;
	s7 =	smul.u32 $0x4F00, s6  }
0x7: {  	s4 =	sadd.s32 $0x16400, s5;
	s18 =	sshll.u32 s1, $0x6;
	s9 =	smul.u32 $0x28000, s6  }
0x8: {  	_ =	strace $0x8000004A;
	s6 =	ssub.s32 $0x2, s6;
	s18 =	sor.u32 $0x1C02, s18  }
0x9: {  	s29 =	sshrl.u32 s10, $0x2;
	s30 =	sshrl.u32 s6, $0x1;
	s28 =	sadd.s32 s8, s9  }
0xa: {  	s11 =	sadd.s32 s7, s5;
	s13 =	ssub.s32 s6, s30;
	s12 =	sadd.s32 s28, s5  }
0xb: {  	s5 =	sadd.s32 s29, s2;
	s14 =	sadd.s32 s31, s11;
	s11 =	smax.u32 s13, $0x1  }
0xc: {  	s6 =	sadd.s32 $0x4000, s5;
	s7 =	sadd.s32 $0x8000, s5;
	s8 =	sadd.s32 $0xC000, s5  }
0xd: {  	s9 =	sadd.s32 $0x10000, s5;
	s10 =	sadd.s32 $0x3D600, s12;
	s12 =	sadd.s32 $0x1E00, s14  }
0xe: {  	v0 =	vimm.f32 $0.0e+00;
	s13 =	sadd.s32 $0xC600, s14;
	s14 =	simm.s32 $0x100;
	s19 =	sshrl.u32 s5, $0x3  }
.LBB2_1:
0xf: {  	s21 =	simm.s32 $0x0;
	s22 =	simm.s32 $0x200  }
.LBB2_2:
0x10: {  	p0 =	sne.s32 s22, $0xFE00;
	[tilespmem:s21+$0x170] =	vst v0  }
0x11: {  	[tilespmem:s21+$0x100] =	vst v0  }
0x12: {  	[tilespmem:s21+$0x110] =	vst v0  }
.Ltmp0:
0x13: {  	[tilespmem:s21+$0x120] =	vst v0;
	(pc) =	sbr.rel @p0 .LBB2_2-.Ltmp0, $4  }
0x14: {  	[tilespmem:s21+$0x130] =	vst v0  }
0x15: {  	[tilespmem:s21+$0x140] =	vst v0  }
0x16: {  	[tilespmem:s21+$0x150] =	vst v0  }
0x17: {  	[tilespmem:s21+$0x160] =	vst v0;
	s21 =	sshra.s32 s22, $0x2;
	s22 =	sadd.s32 $0x200, s22  }
0x18: {  	[tilespmem:s21+$0x170] =	vst v0  }
0x19: {  	[tilespmem:s21+$0x100] =	vst v0  }
0x1a: {  	[tilespmem:s21+$0x110] =	vst v0  }
0x1b: {  	[tilespmem:s21+$0x120] =	vst v0  }
0x1c: {  	[tilespmem:s21+$0x130] =	vst v0  }
0x1d: {  	[tilespmem:s21+$0x140] =	vst v0  }
0x1e: {  	[tilespmem:s21+$0x150] =	vst v0  }
0x1f: {  	[tilespmem:s21+$0x160] =	vst v0  }
0x20: {  	[spmem:s5] =	stream.linear.scatter [tilespmem:s14], [sflag:$0x2], $0x4000, $0x38;
	[tilespmem:$0x18100] =	vst v63  }
0x21: {  	_ =	swait.ge [sflag:s15], $0x4000  }
0x22: {  	[sflag:s15] =	ssyncset.done $0x0  }
0x23: {  	[sflag:s15] =	ssyncadd.s32 $0xFFFFC000  }
0x24: {  	[spmem:s6] =	stream.linear.scatter [tilespmem:s14], [sflag:$0x2], $0x4000, $0x38;
	[tilespmem:$0x18100] =	vst v63  }
0x25: {  	_ =	swait.ge [sflag:s15], $0x4000  }
0x26: {  	[sflag:s15] =	ssyncset.done $0x0  }
0x27: {  	[sflag:s15] =	ssyncadd.s32 $0xFFFFC000  }
0x28: {  	[spmem:s7] =	stream.linear.scatter [tilespmem:s14], [sflag:$0x2], $0x4000, $0x38;
	[tilespmem:$0x18100] =	vst v63  }
0x29: {  	_ =	swait.ge [sflag:s15], $0x4000  }
0x2a: {  	[sflag:s15] =	ssyncset.done $0x0  }
0x2b: {  	[sflag:s15] =	ssyncadd.s32 $0xFFFFC000  }
0x2c: {  	[spmem:s8] =	stream.linear.scatter [tilespmem:s14], [sflag:$0x2], $0x4000, $0x38;
	[tilespmem:$0x18100] =	vst v63  }
0x2d: {  	_ =	swait.ge [sflag:s15], $0x4000  }
0x2e: {  	[sflag:s15] =	ssyncset.done $0x0  }
0x2f: {  	[sflag:s15] =	ssyncadd.s32 $0xFFFFC000  }
0x30: {  	[spmem:s9] =	stream.linear.scatter [tilespmem:s14], [sflag:$0x2], $0x4000, $0x38;
	[tilespmem:$0x18100] =	vst v63  }
0x31: {  	_ =	swait.ge [sflag:s15], $0x4000  }
0x32: {  	[sflag:s15] =	ssyncset.done $0x0  }
0x33: {  	[sflag:s15] =	ssyncadd.s32 $0xFFFFC000  }
0x34: {  	s30 =	sadd.s32 $0x0, s13;
	[bflag:$0x0] =	sbarrier.arrive $0xFFFF  }
0x35: {  	[tilespmem:s3], [sflag:$0x2] =	stream.linear.gather [hbm4b:s30+s3], $0x80, $0x38;
	[tilespmem:$0x18100] =	vst v63  }
0x36: {  	_ =	swait.ge [sflag:s15], $0x80  }
0x37: {  	[sflag:s15] =	ssyncset.done $0x0  }
0x38: {  	s31 =	sadd.s32 $0x0, s12;
	[sflag:s15] =	ssyncadd.s32 $0xFFFFFF80  }
0x39: {  	[tilespmem:s16], [sflag:$0x2] =	stream.linear.gather [hbm4b:s31+s3], $0x80, $0x38;
	[tilespmem:$0x18100] =	vst v63  }
0x3a: {  	_ =	swait.ge [sflag:s15], $0x80  }
0x3b: {  	[sflag:s15] =	ssyncset.done $0x0  }
0x3c: {  	[sflag:s15] =	ssyncadd.s32 $0xFFFFFF80  }
0x3d: {  	[tilespmem:s14], [sflag:$0x1] =	stream.indirect.gather [hbm4b:s4+s16], $0x80, s3, s16, $0xb8;
	[tilespmem:$0x18100] =	vst v63  }
0x3e: {  	_ =	swait.ge [sflag:s17], $0x4000  }
0x3f: {  	[sflag:s17] =	ssyncset.done $0x0  }
0x40: {  	[sflag:s17] =	ssyncadd.s32 $0xFFFFC000  }
0x41: {  	[spmem:s2] =	stream.indirect.scatter.add.f32 [tilespmem:s14], [sflag:$0x2], $0x80, s16, s16, $0xb8;
	[tilespmem:$0x18100] =	vst v63  }
0x42: {  	_ =	swait.ge [sflag:s15], $0x4000  }
0x43: {  	s21 =	simm.s32 $0x10;
	s22 =	simm.s32 $0x20;
	[sflag:s15] =	ssyncset.done $0x0  }
.LBB2_4:
0x44: {  	s23 =	sadd.s32 s21, s13  }
0x45: {  	[sflag:s15] =	ssyncadd.s32 $0xFFFFC000;
	s24 =	smov.u32 s22;
	s25 =	sadd.s32 $0x10, s22  }
0x46: {  	[tilespmem:s3], [sflag:$0x2] =	stream.linear.gather [hbm4b:s23+s3], $0x80, $0x38;
	[tilespmem:$0x18100] =	vst v63  }
0x47: {  	p0 =	sne.s32 s22, $0x4E0;
	_ =	swait.ge [sflag:s15], $0x80  }
0x48: {  	[sflag:s15] =	ssyncset.done $0x0  }
0x49: {  	s22 =	sadd.s32 s21, s12;
	s21 =	smov.u32 s24;
	[sflag:s15] =	ssyncadd.s32 $0xFFFFFF80  }
0x4a: {  	[tilespmem:s16], [sflag:$0x2] =	stream.linear.gather [hbm4b:s22+s3], $0x80, $0x38;
	[tilespmem:$0x18100] =	vst v63  }
0x4b: {  	_ =	swait.ge [sflag:s15], $0x80  }
0x4c: {  	[sflag:s15] =	ssyncset.done $0x0  }
0x4d: {  	[sflag:s15] =	ssyncadd.s32 $0xFFFFFF80  }
0x4e: {  	[tilespmem:s14], [sflag:$0x1] =	stream.indirect.gather [hbm4b:s4+s16], $0x80, s3, s16, $0xb8;
	[tilespmem:$0x18100] =	vst v63  }
0x4f: {  	_ =	swait.ge [sflag:s17], $0x4000  }
.Ltmp1:
0x50: {  	[sflag:s17] =	ssyncset.done $0x0;
	(pc) =	sbr.rel @p0 .LBB2_4-.Ltmp1, $4  }
0x51: {  	[sflag:s17] =	ssyncadd.s32 $0xFFFFC000  }
0x52: {  	[spmem:s2] =	stream.indirect.scatter.add.f32 [tilespmem:s14], [sflag:$0x2], $0x80, s16, s16, $0xb8;
	[tilespmem:$0x18100] =	vst v63  }
0x53: {  	_ =	swait.ge [sflag:s15], $0x4000  }
0x54: {  	s22 =	smov.u32 s25;
	[sflag:s15] =	ssyncset.done $0x0  }
0x55: {  	s22 =	sadd.s32 s21, s13;
	[sflag:s15] =	ssyncadd.s32 $0xFFFFC000  }
0x56: {  	[tilespmem:s3], [sflag:$0x2] =	stream.linear.gather [hbm4b:s22+s3], $0x80, $0x38;
	[tilespmem:$0x18100] =	vst v63  }
0x57: {  	_ =	swait.ge [sflag:s15], $0x80  }
0x58: {  	[sflag:s15] =	ssyncset.done $0x0  }
0x59: {  	s31 =	sadd.s32 s21, s12;
	[sflag:s15] =	ssyncadd.s32 $0xFFFFFF80  }
0x5a: {  	[tilespmem:s16], [sflag:$0x2] =	stream.linear.gather [hbm4b:s31+s3], $0x80, $0x38;
	[tilespmem:$0x18100] =	vst v63  }
0x5b: {  	_ =	swait.ge [sflag:s15], $0x80  }
0x5c: {  	[sflag:s15] =	ssyncset.done $0x0  }
0x5d: {  	[sflag:s15] =	ssyncadd.s32 $0xFFFFFF80  }
0x5e: {  	[tilespmem:s14], [sflag:$0x1] =	stream.indirect.gather [hbm4b:s4+s16], $0x80, s3, s16, $0xb8;
	[tilespmem:$0x18100] =	vst v63  }
0x5f: {  	_ =	swait.ge [sflag:s17], $0x4000  }
0x60: {  	[sflag:s17] =	ssyncset.done $0x0  }
0x61: {  	[sflag:s17] =	ssyncadd.s32 $0xFFFFC000  }
0x62: {  	[spmem:s2] =	stream.indirect.scatter.add.f32 [tilespmem:s14], [sflag:$0x2], $0x80, s16, s16, $0xb8;
	[tilespmem:$0x18100] =	vst v63  }
0x63: {  	_ =	swait.ge [sflag:s15], $0x4000  }
0x64: {  	s20 =	sadd.s32 $0x1, s20;
	[sflag:s15] =	ssyncset.done $0x0  }
0x65: {  	p0 =	sne.s32 s20, s11;
	[sflag:s15] =	ssyncadd.s32 $0xFFFFC000  }
.Ltmp2:
0x66: {  	[bflag:$0x0] =	sbarrier.arrive $0xFFFF;
	(pc) =	sbr.rel @p0 .LBB2_1-.Ltmp2, $4  }
0x67: {  	[hbm:s10], [sflag:s18] =	dma.local [spmem:s19], $0x2800  }
0x68: {  	_ =	swait.ge [sflag:s15], $0x2800  }
0x69: {  	[sflag:s15] =	ssyncset.done $0x0  }
0x6a: {  	[sflag:s15] =	ssyncadd.s32 $0xFFFFD800  }
0x6b: {  	_ =	sfence.sel $0x180000  }
0x6c: {  	[bflag:$0x0] =	sbarrier.arrive $0xFFFF  }
0x6d: {  	p0 =	sne.s32 s1, $0x0;
	_ =	strace $0x9000004A  }
0x6e: {  	s0 =	sadd.s32 @!p0 $0x100000, s0;
	[bflag:$0x2] =	sbarrier.arrive $0xFFFF  }
0x6f: {  	[sflag:s0] =	ssyncadd.tile.s32 @!p0 $0x1;
	_ =	shalt  }
.Lfunc_end2:
_tile_overlayer_lowered:
.L_overlay_start_2:
0x70: {  	(tag) =	ssettag $0x2  }
0x71: {  	s0 =	rddreg [dreg:$0x0];
	s2 =	stileid.u32  }
0x72: {  	s1 =	rddreg [dreg:$0x1];
	p0 =	sne.s32 s2, $0x0  }
0x73: {  	s3 =	rddreg [dreg:$0x2];
	[bflag:$0x3] =	sbarrier.arrive $0xFFFF;
	s2 =	simm.s32 @!p0 $0x1C02  }
0x74: {  	[timem:s3], [sflag:s2] =	dma.local @!p0 [hbm:s0], s1  }
0x75: {  	s0 =	simm.s32 @!p0 $0x2  }
0x76: {  	_ =	swait.ge @!p0 [sflag:s0], s1  }
0x77: {  	s1 =	ssub.s32 @!p0 $0x0, s1;
	[sflag:s0] =	ssyncset.done @!p0 $0x0  }
0x78: {  	[sflag:s0] =	ssyncadd.s32 @!p0 s1  }
0x79: {  	[bflag:$0x3] =	sbarrier.arrive $0xFFFF  }
0x7a: {  	_ =	shalt  }

// kernel: kernel.14.cloned.1.call-start
scs
__scs_entry_jumppad:
0x0: {  	(pc) =	sbr.rel $0x88, $3  }
0x1: {  	(tag) =	ssettag $0x0;
	lr =	simm.s32 $0x1  }
0x2: {  	[smem:$0x3F99] =	sst lr;
	_ =	strace $0xD0000000  }
0x3: {  	_ = 	snop  }
0x4: {  	_ = 	snop  }
0x5: {  	_ = 	snop  }
0x6: {  	_ = 	snop  }
0x7: {  	_ = 	snop  }
__scs_overlays_trampoline_lowered:
0x8: {  	[smem:$0x3FA8] =	sst s0  }
0x9: {  	[smem:$0x3FA9] =	sst s1  }
0xa: {  	[smem:$0x3FAA] =	sst s2  }
0xb: {  	[smem:$0x3FAB] =	sst s3  }
0xc: {  	[smem:$0x3FAC] =	sst s4  }
0xd: {  	[smem:$0x3FAD] =	sst s5  }
0xe: {  	[smem:$0x3FAE] =	sst s6  }
0xf: {  	[smem:$0x3FAF] =	sst s7  }
0x10: {  	[smem:$0x3FB0] =	sst s8  }
0x11: {  	[smem:$0x3FB1] =	sst s9;
	s0 =	simm.s32 @!p0 $0x0  }
0x12: {  	s1 =	sld [smem:$0x3F97];
	s0 =	simm.s32 @p0 $0x1  }
0x13: {  	[smem:$0x3FB2] =	sst s0;
	s0 =	simm.s32 @!p1 $0x0  }
0x14: {  	s2 =	sld [smem:$0x3F96];
	s0 =	simm.s32 @p1 $0x1  }
0x15: {  	[smem:$0x3FB3] =	sst s0;
	s0 =	simm.s32 @!p2 $0x0  }
0x16: {  	s3 =	sld [smem:$0x3FDB];
	s0 =	simm.s32 @p2 $0x1  }
0x17: {  	s4 =	simm.s32 $0x1BF5;
	[smem:$0x3FB5] =	sst s0  }
0x18: {  	s0 =	sld [smem:$0x3F98];
	_ =	swait.ge [sflag:s4], $0x0  }
0x19: {  	s7 =	sld [smem:$0x3F99]  }
0x1a: {  	s8 =	sadd.s32 $0xFFFFE003, lr  }
0x1b: {  	s9 =	sadd.s32 $0xFFFFFEF7, lr;
	s5 =	simm.s32 $0xFFFFFFFF;
	p2 =	slt.u32 s8, $0xFFFFF086  }
0x1c: {  	p1 =	slt.u32 s9, $0xF7A;
	s5 =	simm.s32 @!p2 $0x0  }
0x1d: {  	s5 =	simm.s32 @p1 $0x1;
	p0 =	seq.s32 s7, s2  }
0x1e: {  	s7 =	smul.u32 @!p0 $0xF7A, s2;
	p2 =	seq.s32 @!p0 s5, $0x0  }
0x1f: {  	s9 =	smul.u32 $0xF7A, s1;
	s8 =	simm.s32 @!p0 $0x1BF5;
	p2 =	por !p2, p0  }
0x20: {  	[sflag:s8] =	ssyncset.s32 @!p0 $0xFFFFF086;
	s6 =	sadd.s32 @!p0 s3, s7;
	s7 =	simm.s32 @!p0 $0x108  }
0x21: {  	s3 =	sadd.s32 s3, s9;
	s6 =	sadd.s32 @!p0 $0x88, s6;
	s7 =	simm.s32 @p2 $0x1082  }
0x22: {  	[simem:s7], [sflag:s8] =	dma.local @!p0 [hbm:s6], $0xF7A  }
0x23: {  	s9 =	sor.u32 $0xD0000000, s2;
	s6 =	simm.s32 $0x108;
	_ =	swait.ge @!p0 [sflag:s8], $0x0  }
0x24: {  	s3 =	sadd.s32 $0x88, s3;
	s6 =	simm.s32 @!p1 $0x1082;
	[sflag:s4] =	ssyncset.s32 $0xFFFFF086  }
0x25: {  	[simem:s6], [sflag:s4] =	dma.local [hbm:s3], $0xF7A  }
0x26: {  	[smem:$0x3F99] =	sst s1;
	(tag) =	ssettag s2;
	_ =	strace s9  }
0x27: {  	s1 =	sld [smem:$0x3FA9]  }
0x28: {  	s2 =	sld [smem:$0x3FAA]  }
0x29: {  	s4 =	sld [smem:$0x3FAC]  }
0x2a: {  	p0 =	seq.s32 s5, $0x0;
	s5 =	sld [smem:$0x3FAD]  }
0x2b: {  	s6 =	sld [smem:$0x3FAE]  }
0x2c: {  	s7 =	sld [smem:$0x3FAF]  }
0x2d: {  	s3 =	simm.s32 $0x108;
	s8 =	sld [smem:$0x3FB0]  }
0x2e: {  	s3 =	simm.s32 @!p0 $0x1082;
	s9 =	sld [smem:$0x3FB1]  }
0x2f: {  	lr =	sadd.s32 s0, s3;
	s0 =	sld [smem:$0x3FA8]  }
0x30: {  	s3 =	sld [smem:$0x3FAB]  }
0x31: {  	[smem:$0x3FB4] =	sst s10  }
0x32: {  	s10 =	sld [smem:$0x3FB2];
	_ =	sdelay $0x3  }
0x33: {  	p0 =	seq.s32 s10, $0x1;
	s10 =	sld [smem:$0x3FB4];
	_ =	sdelay $0x3  }
0x34: {  	[smem:$0x3FB4] =	sst s10  }
0x35: {  	s10 =	sld [smem:$0x3FB3];
	_ =	sdelay $0x3  }
0x36: {  	p1 =	seq.s32 s10, $0x1;
	s10 =	sld [smem:$0x3FB4];
	_ =	sdelay $0x3  }
0x37: {  	[smem:$0x3FB4] =	sst s10  }
0x38: {  	s10 =	sld [smem:$0x3FB5]  }
0x39: {  	_ = 	snop;
	(pc) =	sbr.ind lr, $3  }
0x3a: {  	_ = 	snop  }
0x3b: {  	_ = 	snop  }
0x3c: {  	p2 =	seq.s32 s10, $0x1;
	s10 =	sld [smem:$0x3FB4]  }
0x3d: {  	_ =	shalt  }
0x3e: {  	_ =	shalt  }
0x3f: {  	_ =	shalt  }
0x40: {  	_ =	shalt  }
0x41: {  	_ =	shalt  }
0x42: {  	_ =	shalt  }
0x43: {  	_ =	shalt  }
0x44: {  	_ =	shalt  }
0x45: {  	_ =	shalt  }
0x46: {  	_ =	shalt  }
0x47: {  	_ =	shalt  }
0x48: {  	_ =	shalt  }
0x49: {  	_ =	shalt  }
0x4a: {  	_ =	shalt  }
0x4b: {  	_ =	shalt  }
0x4c: {  	_ =	shalt  }
0x4d: {  	_ =	shalt  }
0x4e: {  	_ =	shalt  }
0x4f: {  	_ =	shalt  }
0x50: {  	_ =	shalt  }
0x51: {  	_ =	shalt  }
0x52: {  	_ =	shalt  }
0x53: {  	_ =	shalt  }
0x54: {  	_ =	shalt  }
0x55: {  	_ =	shalt  }
0x56: {  	_ =	shalt  }
0x57: {  	_ =	shalt  }
0x58: {  	_ =	shalt  }
0x59: {  	_ =	shalt  }
0x5a: {  	_ =	shalt  }
0x5b: {  	_ =	shalt  }
0x5c: {  	_ =	shalt  }
0x5d: {  	_ =	shalt  }
0x5e: {  	_ =	shalt  }
0x5f: {  	_ =	shalt  }
0x60: {  	_ =	shalt  }
0x61: {  	_ =	shalt  }
0x62: {  	_ =	shalt  }
0x63: {  	_ =	shalt  }
0x64: {  	_ =	shalt  }
0x65: {  	_ =	shalt  }
0x66: {  	_ =	shalt  }
0x67: {  	_ =	shalt  }
0x68: {  	_ =	shalt  }
0x69: {  	_ =	shalt  }
0x6a: {  	_ =	shalt  }
0x6b: {  	_ =	shalt  }
0x6c: {  	_ =	shalt  }
0x6d: {  	_ =	shalt  }
0x6e: {  	_ =	shalt  }
0x6f: {  	_ =	shalt  }
0x70: {  	_ =	shalt  }
0x71: {  	_ =	shalt  }
0x72: {  	_ =	shalt  }
0x73: {  	_ =	shalt  }
0x74: {  	_ =	shalt  }
0x75: {  	_ =	shalt  }
0x76: {  	_ =	shalt  }
0x77: {  	_ =	shalt  }
0x78: {  	_ =	shalt  }
0x79: {  	_ =	shalt  }
0x7a: {  	_ =	shalt  }
0x7b: {  	_ =	shalt  }
0x7c: {  	_ =	shalt  }
0x7d: {  	_ =	shalt  }
0x7e: {  	_ =	shalt  }
0x7f: {  	_ =	shalt  }
0x80: {  	_ =	shalt  }
0x81: {  	_ =	shalt  }
0x82: {  	_ =	shalt  }
0x83: {  	_ =	shalt  }
0x84: {  	_ =	shalt  }
0x85: {  	_ =	shalt  }
0x86: {  	_ =	shalt  }
0x87: {  	_ =	shalt  }
.Lfunc_end0:
.L_simem_size_0:
called_computation.2_lowered:
.L_overlay_start_0:
0x88: {  	s2 =	sld [smem:$0x3FD9]  }
0x89: {  	s3 =	sld [smem:$0x3FFE];
	_ =	sdelay $0x1  }
0x8a: {  	s1 =	srdreg.scid  }
0x8b: {  	s0 =	sand.u32 $0x1, s1  }
0x8c: {  	s16 =	sshll.u32 s0, $0xA;
	s2 =	sadd.s32 s3, s2  }
0x8d: {  	s2 =	sadd.s32 s2, s16  }
0x8e: {  	[smem:$0x3FC0] =	sst s2  }
0x8f: {  	_ = 	snop  }
0x90: {  	(tm) =	ssettm $0x1  }
0x91: {  	s17 =	sld [smem:$0x3FFB];
	_ =	sdelay $0x3  }
0x92: {  	_ =	strace s17  }
0x93: {  	s2 =	sld [smem:$0x3FFC];
	_ =	sdelay $0x3  }
0x94: {  	_ =	strace s2  }
0x95: {  	s2 =	sld [smem:$0x3FFD];
	_ =	sdelay $0x3  }
0x96: {  	_ =	strace s2  }
0x97: {  	_ =	strace $0x8FFFFFFF  }
0x98: {  	s18 =	sld [smem:$0x3FDB];
	_ =	sdelay $0x1  }
0x99: {  	s19 =	simm.s32 $_scs_section_size  }
0x9a: {  	s4 =	simm.s32 $_size__tile_overlayer_lowered;
	s5 =	simm.s32 $_tile_overlayer_lowered  }
0x9b: {  	s22 =	simm.s32 $0x1BFF;
	s21 =	sshll.u32 s5, $0x1;
	s2 =	sadd.s32 s19, s18  }
0x9c: {  	s6 =	simm.s32 $0x0;
	s20 =	sshll.u32 s4, $0x1;
	s4 =	sadd.s32 s21, s2  }
0x9d: {  	[timem:s6], [sflag:s22] =	dma.local [hbm:s4], s20  }
0x9e: {  	_ =	swait.ge [sflag:s22], s20  }
0x9f: {  	s3 =	ssub.s32 $0x0, s20;
	[sflag:s22] =	ssyncset.done $0x0  }
0xa0: {  	[sflag:s22] =	ssyncadd.s32 s3;
	_ =	sdelay $0x1  }
0xa1: {  	s23 =	simm.s32 $0x1B8B  }
0xa2: {  	_ =	swait.ge [sflag:s23], $0x1  }
0xa3: {  	[sflag:s23] =	ssyncset.done $0x0  }
0xa4: {  	s25 =	simm.s32 $0x1B8E;
	s24 =	sld [smem:$0x3FFE];
	[sflag:s23] =	ssyncadd.s32 $0xFFFFFFFF  }
0xa5: {  	s26 =	simm.s32 $execute0_lowered;
	[smem:$0x3FD2] =	sst s25  }
0xa6: {  	s4 =	sshll.u32 s26, $0x1;
	_ =	strace $0x8000004C;
	[dreg:$0x1] =	wrdreg $0xFFFFFFFF  }
0xa7: {  	s28 =	simm.s32 $_size_execute0_lowered;
	s2 =	sadd.s32 s2, s4;
	[dreg:$0x0] =	wrdreg $0x0  }
0xa8: {  	s4 =	sshll.u32 s28, $0x1;
	[dreg:$0x2] =	wrdreg s2  }
0xa9: {  	[dreg:$0x3] =	wrdreg s4  }
0xaa: {  	[dreg:$0x4] =	wrdreg $0xC0  }
0xab: {  	_ =	task [dreg:s6], $0x5FFFF  }
0xac: {  	[dreg:$0x1] =	wrdreg $0xFFFFFFFF  }
0xad: {  	[dreg:$0x0] =	wrdreg $0x60  }
0xae: {  	[dreg:$0x2] =	wrdreg s24  }
0xaf: {  	[dreg:$0x3] =	wrdreg $0x41000  }
0xb0: {  	[dreg:$0x4] =	wrdreg $0x9  }
0xb1: {  	_ =	task.clear_ibuf [dreg:s6], $0x5FFFF;
	_ =	strace $0x9000004C  }
0xb2: {  	s29 =	simm.s32 $0x9;
	_ =	strace $0x8000004E  }
0xb3: {  	_ =	swait.ge [sflag:s29], $0x1  }
0xb4: {  	[sflag:s29] =	ssyncadd.s32 $0xFFFFFFFF  }
0xb5: {  	_ =	strace $0x9000004E  }
0xb6: {  	_ =	sfence  }
0xb7: {  	s30 =	sld [smem:$0x0];
	_ =	sdelay $0x2  }
0xb8: {  	s31 =	sshll.u32 s1, $0xD;
	s1 =	sshrl.u32 s1, $0x2  }
0xb9: {  	s3 =	sand.u32 $0x4000, s31;
	s1 =	sadd.s32 s1, s30  }
0xba: {  	s0 =	sor.u32 s3, s0;
	s1 =	sshll.u32 s1, $0x11  }
0xbb: {  	s0 =	sor.u32 s1, s0  }
0xbc: {  	s0 =	sadd.s32 $0x8F2B, s0  }
0xbd: {  	[sflag:s0] =	ssyncadd.remote.s32 $0x1  }
0xbe: {  	_ =	sfence.sel $0xFFFF  }
0xbf: {  	[dreg:$0x0] =	wrdreg $0xFFFFFFFF;
	(pc) =	sbr.abs _section_cstart, $3  }
0xc0: {  	[dreg:$0x1] =	wrdreg $0xFFFFFFFF  }
0xc1: {  	_ =	task.clear_ibuf [dreg:s6], $0x2FFFF;
	_ =	strace $0x9FFFFFFF  }
0xc2: {  	(tm) =	ssettm $0x7FFFFFFF  }
0xc3: {  	_ =	shalt  }
tec
execute0_lowered:
.L_overlay_start_1:
0x0: {  	(tag) =	ssettag $0x1  }
0x1: {  	s5 =	rddreg [dreg:$0x0];
	s0 =	srdreg.scid  }
0x2: {  	s2 =	rddreg [dreg:$0x1];
	s1 =	stileid.u32  }
0x3: {  	s3 =	simm.s32 $0x0;
	s15 =	simm.s32 $0x2;
	s8 =	smul.u32 $0x2800, s1  }
0x4: {  	s16 =	simm.s32 $0x80;
	s17 =	simm.s32 $0x1;
	s10 =	smul.u32 $0x50000, s1  }
0x5: {  	s6 =	sand.u32 $0x1, s0;
	s0 =	rddreg [dreg:$0x2];
	s31 =	smul.u32 $0x4F0, s1  }
0x6: {  	s20 =	simm.s32 $0x0;
	[smem:$0x7FF] =	sst s3;
	s7 =	smul.u32 $0x4F00, s6  }
0x7: {  	s4 =	sadd.s32 $0x16400, s5;
	s18 =	sshll.u32 s1, $0x6;
	s9 =	smul.u32 $0x28000, s6  }
0x8: {  	_ =	strace $0x8000004D;
	s6 =	ssub.s32 $0x2, s6;
	s18 =	sor.u32 $0x1C02, s18  }
0x9: {  	s29 =	sshrl.u32 s10, $0x2;
	s30 =	sshrl.u32 s6, $0x1;
	s28 =	sadd.s32 s8, s9  }
0xa: {  	s11 =	sadd.s32 s7, s5;
	s13 =	ssub.s32 s6, s30;
	s12 =	sadd.s32 s28, s5  }
0xb: {  	s5 =	sadd.s32 s29, s2;
	s14 =	sadd.s32 s31, s11;
	s11 =	smax.u32 s13, $0x1  }
0xc: {  	s6 =	sadd.s32 $0x4000, s5;
	s7 =	sadd.s32 $0x8000, s5;
	s8 =	sadd.s32 $0xC000, s5  }
0xd: {  	s9 =	sadd.s32 $0x10000, s5;
	s10 =	sadd.s32 $0x3D600, s12;
	s12 =	sadd.s32 $0x1E00, s14  }
0xe: {  	v0 =	vimm.f32 $0.0e+00;
	s13 =	sadd.s32 $0xC600, s14;
	s14 =	simm.s32 $0x100;
	s19 =	sshrl.u32 s5, $0x3  }
.LBB2_1:
0xf: {  	s21 =	simm.s32 $0x0;
	s22 =	simm.s32 $0x200  }
.LBB2_2:
0x10: {  	p0 =	sne.s32 s22, $0xFE00;
	[tilespmem:s21+$0x170] =	vst v0  }
0x11: {  	[tilespmem:s21+$0x100] =	vst v0  }
0x12: {  	[tilespmem:s21+$0x110] =	vst v0  }
.Ltmp0:
0x13: {  	[tilespmem:s21+$0x120] =	vst v0;
	(pc) =	sbr.rel @p0 .LBB2_2-.Ltmp0, $4  }
0x14: {  	[tilespmem:s21+$0x130] =	vst v0  }
0x15: {  	[tilespmem:s21+$0x140] =	vst v0  }
0x16: {  	[tilespmem:s21+$0x150] =	vst v0  }
0x17: {  	[tilespmem:s21+$0x160] =	vst v0;
	s21 =	sshra.s32 s22, $0x2;
	s22 =	sadd.s32 $0x200, s22  }
0x18: {  	[tilespmem:s21+$0x170] =	vst v0  }
0x19: {  	[tilespmem:s21+$0x100] =	vst v0  }
0x1a: {  	[tilespmem:s21+$0x110] =	vst v0  }
0x1b: {  	[tilespmem:s21+$0x120] =	vst v0  }
0x1c: {  	[tilespmem:s21+$0x130] =	vst v0  }
0x1d: {  	[tilespmem:s21+$0x140] =	vst v0  }
0x1e: {  	[tilespmem:s21+$0x150] =	vst v0  }
0x1f: {  	[tilespmem:s21+$0x160] =	vst v0  }
0x20: {  	[spmem:s5] =	stream.linear.scatter [tilespmem:s14], [sflag:$0x2], $0x4000, $0x38;
	[tilespmem:$0x18100] =	vst v63  }
0x21: {  	_ =	swait.ge [sflag:s15], $0x4000  }
0x22: {  	[sflag:s15] =	ssyncset.done $0x0  }
0x23: {  	[sflag:s15] =	ssyncadd.s32 $0xFFFFC000  }
0x24: {  	[spmem:s6] =	stream.linear.scatter [tilespmem:s14], [sflag:$0x2], $0x4000, $0x38;
	[tilespmem:$0x18100] =	vst v63  }
0x25: {  	_ =	swait.ge [sflag:s15], $0x4000  }
0x26: {  	[sflag:s15] =	ssyncset.done $0x0  }
0x27: {  	[sflag:s15] =	ssyncadd.s32 $0xFFFFC000  }
0x28: {  	[spmem:s7] =	stream.linear.scatter [tilespmem:s14], [sflag:$0x2], $0x4000, $0x38;
	[tilespmem:$0x18100] =	vst v63  }
0x29: {  	_ =	swait.ge [sflag:s15], $0x4000  }
0x2a: {  	[sflag:s15] =	ssyncset.done $0x0  }
0x2b: {  	[sflag:s15] =	ssyncadd.s32 $0xFFFFC000  }
0x2c: {  	[spmem:s8] =	stream.linear.scatter [tilespmem:s14], [sflag:$0x2], $0x4000, $0x38;
	[tilespmem:$0x18100] =	vst v63  }
0x2d: {  	_ =	swait.ge [sflag:s15], $0x4000  }
0x2e: {  	[sflag:s15] =	ssyncset.done $0x0  }
0x2f: {  	[sflag:s15] =	ssyncadd.s32 $0xFFFFC000  }
0x30: {  	[spmem:s9] =	stream.linear.scatter [tilespmem:s14], [sflag:$0x2], $0x4000, $0x38;
	[tilespmem:$0x18100] =	vst v63  }
0x31: {  	_ =	swait.ge [sflag:s15], $0x4000  }
0x32: {  	[sflag:s15] =	ssyncset.done $0x0  }
0x33: {  	[sflag:s15] =	ssyncadd.s32 $0xFFFFC000  }
0x34: {  	s30 =	sadd.s32 $0x0, s13;
	[bflag:$0x0] =	sbarrier.arrive $0xFFFF  }
0x35: {  	[tilespmem:s3], [sflag:$0x2] =	stream.linear.gather [hbm4b:s30+s3], $0x80, $0x38;
	[tilespmem:$0x18100] =	vst v63  }
0x36: {  	_ =	swait.ge [sflag:s15], $0x80  }
0x37: {  	[sflag:s15] =	ssyncset.done $0x0  }
0x38: {  	s31 =	sadd.s32 $0x0, s12;
	[sflag:s15] =	ssyncadd.s32 $0xFFFFFF80  }
0x39: {  	[tilespmem:s16], [sflag:$0x2] =	stream.linear.gather [hbm4b:s31+s3], $0x80, $0x38;
	[tilespmem:$0x18100] =	vst v63  }
0x3a: {  	_ =	swait.ge [sflag:s15], $0x80  }
0x3b: {  	[sflag:s15] =	ssyncset.done $0x0  }
0x3c: {  	[sflag:s15] =	ssyncadd.s32 $0xFFFFFF80  }
0x3d: {  	[tilespmem:s14], [sflag:$0x1] =	stream.indirect.gather [hbm4b:s4+s16], $0x80, s3, s16, $0xb8;
	[tilespmem:$0x18100] =	vst v63  }
0x3e: {  	_ =	swait.ge [sflag:s17], $0x4000  }
0x3f: {  	[sflag:s17] =	ssyncset.done $0x0  }
0x40: {  	[sflag:s17] =	ssyncadd.s32 $0xFFFFC000  }
0x41: {  	[spmem:s2] =	stream.indirect.scatter.add.f32 [tilespmem:s14], [sflag:$0x2], $0x80, s16, s16, $0xb8;
	[tilespmem:$0x18100] =	vst v63  }
0x42: {  	_ =	swait.ge [sflag:s15], $0x4000  }
0x43: {  	s21 =	simm.s32 $0x10;
	s22 =	simm.s32 $0x20;
	[sflag:s15] =	ssyncset.done $0x0  }
.LBB2_4:
0x44: {  	s23 =	sadd.s32 s21, s13  }
0x45: {  	[sflag:s15] =	ssyncadd.s32 $0xFFFFC000;
	s24 =	smov.u32 s22;
	s25 =	sadd.s32 $0x10, s22  }
0x46: {  	[tilespmem:s3], [sflag:$0x2] =	stream.linear.gather [hbm4b:s23+s3], $0x80, $0x38;
	[tilespmem:$0x18100] =	vst v63  }
0x47: {  	p0 =	sne.s32 s22, $0x4E0;
	_ =	swait.ge [sflag:s15], $0x80  }
0x48: {  	[sflag:s15] =	ssyncset.done $0x0  }
0x49: {  	s22 =	sadd.s32 s21, s12;
	s21 =	smov.u32 s24;
	[sflag:s15] =	ssyncadd.s32 $0xFFFFFF80  }
0x4a: {  	[tilespmem:s16], [sflag:$0x2] =	stream.linear.gather [hbm4b:s22+s3], $0x80, $0x38;
	[tilespmem:$0x18100] =	vst v63  }
0x4b: {  	_ =	swait.ge [sflag:s15], $0x80  }
0x4c: {  	[sflag:s15] =	ssyncset.done $0x0  }
0x4d: {  	[sflag:s15] =	ssyncadd.s32 $0xFFFFFF80  }
0x4e: {  	[tilespmem:s14], [sflag:$0x1] =	stream.indirect.gather [hbm4b:s4+s16], $0x80, s3, s16, $0xb8;
	[tilespmem:$0x18100] =	vst v63  }
0x4f: {  	_ =	swait.ge [sflag:s17], $0x4000  }
.Ltmp1:
0x50: {  	[sflag:s17] =	ssyncset.done $0x0;
	(pc) =	sbr.rel @p0 .LBB2_4-.Ltmp1, $4  }
0x51: {  	[sflag:s17] =	ssyncadd.s32 $0xFFFFC000  }
0x52: {  	[spmem:s2] =	stream.indirect.scatter.add.f32 [tilespmem:s14], [sflag:$0x2], $0x80, s16, s16, $0xb8;
	[tilespmem:$0x18100] =	vst v63  }
0x53: {  	_ =	swait.ge [sflag:s15], $0x4000  }
0x54: {  	s22 =	smov.u32 s25;
	[sflag:s15] =	ssyncset.done $0x0  }
0x55: {  	s22 =	sadd.s32 s21, s13;
	[sflag:s15] =	ssyncadd.s32 $0xFFFFC000  }
0x56: {  	[tilespmem:s3], [sflag:$0x2] =	stream.linear.gather [hbm4b:s22+s3], $0x80, $0x38;
	[tilespmem:$0x18100] =	vst v63  }
0x57: {  	_ =	swait.ge [sflag:s15], $0x80  }
0x58: {  	[sflag:s15] =	ssyncset.done $0x0  }
0x59: {  	s31 =	sadd.s32 s21, s12;
	[sflag:s15] =	ssyncadd.s32 $0xFFFFFF80  }
0x5a: {  	[tilespmem:s16], [sflag:$0x2] =	stream.linear.gather [hbm4b:s31+s3], $0x80, $0x38;
	[tilespmem:$0x18100] =	vst v63  }
0x5b: {  	_ =	swait.ge [sflag:s15], $0x80  }
0x5c: {  	[sflag:s15] =	ssyncset.done $0x0  }
0x5d: {  	[sflag:s15] =	ssyncadd.s32 $0xFFFFFF80  }
0x5e: {  	[tilespmem:s14], [sflag:$0x1] =	stream.indirect.gather [hbm4b:s4+s16], $0x80, s3, s16, $0xb8;
	[tilespmem:$0x18100] =	vst v63  }
0x5f: {  	_ =	swait.ge [sflag:s17], $0x4000  }
0x60: {  	[sflag:s17] =	ssyncset.done $0x0  }
0x61: {  	[sflag:s17] =	ssyncadd.s32 $0xFFFFC000  }
0x62: {  	[spmem:s2] =	stream.indirect.scatter.add.f32 [tilespmem:s14], [sflag:$0x2], $0x80, s16, s16, $0xb8;
	[tilespmem:$0x18100] =	vst v63  }
0x63: {  	_ =	swait.ge [sflag:s15], $0x4000  }
0x64: {  	s20 =	sadd.s32 $0x1, s20;
	[sflag:s15] =	ssyncset.done $0x0  }
0x65: {  	p0 =	sne.s32 s20, s11;
	[sflag:s15] =	ssyncadd.s32 $0xFFFFC000  }
.Ltmp2:
0x66: {  	[bflag:$0x0] =	sbarrier.arrive $0xFFFF;
	(pc) =	sbr.rel @p0 .LBB2_1-.Ltmp2, $4  }
0x67: {  	[hbm:s10], [sflag:s18] =	dma.local [spmem:s19], $0x2800  }
0x68: {  	_ =	swait.ge [sflag:s15], $0x2800  }
0x69: {  	[sflag:s15] =	ssyncset.done $0x0  }
0x6a: {  	[sflag:s15] =	ssyncadd.s32 $0xFFFFD800  }
0x6b: {  	_ =	sfence.sel $0x180000  }
0x6c: {  	[bflag:$0x0] =	sbarrier.arrive $0xFFFF  }
0x6d: {  	p0 =	sne.s32 s1, $0x0;
	_ =	strace $0x9000004D  }
0x6e: {  	s0 =	sadd.s32 @!p0 $0x100000, s0;
	[bflag:$0x2] =	sbarrier.arrive $0xFFFF  }
0x6f: {  	[sflag:s0] =	ssyncadd.tile.s32 @!p0 $0x1;
	_ =	shalt  }
.Lfunc_end2:
_tile_overlayer_lowered:
.L_overlay_start_2:
0x70: {  	(tag) =	ssettag $0x2  }
0x71: {  	s0 =	rddreg [dreg:$0x0];
	s2 =	stileid.u32  }
0x72: {  	s1 =	rddreg [dreg:$0x1];
	p0 =	sne.s32 s2, $0x0  }
0x73: {  	s3 =	rddreg [dreg:$0x2];
	[bflag:$0x3] =	sbarrier.arrive $0xFFFF;
	s2 =	simm.s32 @!p0 $0x1C02  }
0x74: {  	[timem:s3], [sflag:s2] =	dma.local @!p0 [hbm:s0], s1  }
0x75: {  	s0 =	simm.s32 @!p0 $0x2  }
0x76: {  	_ =	swait.ge @!p0 [sflag:s0], s1  }
0x77: {  	s1 =	ssub.s32 @!p0 $0x0, s1;
	[sflag:s0] =	ssyncset.done @!p0 $0x0  }
0x78: {  	[sflag:s0] =	ssyncadd.s32 @!p0 s1  }
0x79: {  	[bflag:$0x3] =	sbarrier.arrive $0xFFFF  }
0x7a: {  	_ =	shalt  }

// kernel: kernel.8.cloned.1.call-start
scs
__scs_entry_jumppad:
0x0: {  	(pc) =	sbr.rel $0x88, $3  }
0x1: {  	(tag) =	ssettag $0x0;
	lr =	simm.s32 $0x1  }
0x2: {  	[smem:$0x3F99] =	sst lr;
	_ =	strace $0xD0000000  }
0x3: {  	_ = 	snop  }
0x4: {  	_ = 	snop  }
0x5: {  	_ = 	snop  }
0x6: {  	_ = 	snop  }
0x7: {  	_ = 	snop  }
__scs_overlays_trampoline_lowered:
0x8: {  	[smem:$0x3FA8] =	sst s0  }
0x9: {  	[smem:$0x3FA9] =	sst s1  }
0xa: {  	[smem:$0x3FAA] =	sst s2  }
0xb: {  	[smem:$0x3FAB] =	sst s3  }
0xc: {  	[smem:$0x3FAC] =	sst s4  }
0xd: {  	[smem:$0x3FAD] =	sst s5  }
0xe: {  	[smem:$0x3FAE] =	sst s6  }
0xf: {  	[smem:$0x3FAF] =	sst s7  }
0x10: {  	[smem:$0x3FB0] =	sst s8  }
0x11: {  	[smem:$0x3FB1] =	sst s9;
	s0 =	simm.s32 @!p0 $0x0  }
0x12: {  	s1 =	sld [smem:$0x3F97];
	s0 =	simm.s32 @p0 $0x1  }
0x13: {  	[smem:$0x3FB2] =	sst s0;
	s0 =	simm.s32 @!p1 $0x0  }
0x14: {  	s2 =	sld [smem:$0x3F96];
	s0 =	simm.s32 @p1 $0x1  }
0x15: {  	[smem:$0x3FB3] =	sst s0;
	s0 =	simm.s32 @!p2 $0x0  }
0x16: {  	s3 =	sld [smem:$0x3FDB];
	s0 =	simm.s32 @p2 $0x1  }
0x17: {  	s4 =	simm.s32 $0x1BF5;
	[smem:$0x3FB5] =	sst s0  }
0x18: {  	s0 =	sld [smem:$0x3F98];
	_ =	swait.ge [sflag:s4], $0x0  }
0x19: {  	s7 =	sld [smem:$0x3F99]  }
0x1a: {  	s8 =	sadd.s32 $0xFFFFE003, lr  }
0x1b: {  	s9 =	sadd.s32 $0xFFFFFEF7, lr;
	s5 =	simm.s32 $0xFFFFFFFF;
	p2 =	slt.u32 s8, $0xFFFFF086  }
0x1c: {  	p1 =	slt.u32 s9, $0xF7A;
	s5 =	simm.s32 @!p2 $0x0  }
0x1d: {  	s5 =	simm.s32 @p1 $0x1;
	p0 =	seq.s32 s7, s2  }
0x1e: {  	s7 =	smul.u32 @!p0 $0xF7A, s2;
	p2 =	seq.s32 @!p0 s5, $0x0  }
0x1f: {  	s9 =	smul.u32 $0xF7A, s1;
	s8 =	simm.s32 @!p0 $0x1BF5;
	p2 =	por !p2, p0  }
0x20: {  	[sflag:s8] =	ssyncset.s32 @!p0 $0xFFFFF086;
	s6 =	sadd.s32 @!p0 s3, s7;
	s7 =	simm.s32 @!p0 $0x108  }
0x21: {  	s3 =	sadd.s32 s3, s9;
	s6 =	sadd.s32 @!p0 $0x88, s6;
	s7 =	simm.s32 @p2 $0x1082  }
0x22: {  	[simem:s7], [sflag:s8] =	dma.local @!p0 [hbm:s6], $0xF7A  }
0x23: {  	s9 =	sor.u32 $0xD0000000, s2;
	s6 =	simm.s32 $0x108;
	_ =	swait.ge @!p0 [sflag:s8], $0x0  }
0x24: {  	s3 =	sadd.s32 $0x88, s3;
	s6 =	simm.s32 @!p1 $0x1082;
	[sflag:s4] =	ssyncset.s32 $0xFFFFF086  }
0x25: {  	[simem:s6], [sflag:s4] =	dma.local [hbm:s3], $0xF7A  }
0x26: {  	[smem:$0x3F99] =	sst s1;
	(tag) =	ssettag s2;
	_ =	strace s9  }
0x27: {  	s1 =	sld [smem:$0x3FA9]  }
0x28: {  	s2 =	sld [smem:$0x3FAA]  }
0x29: {  	s4 =	sld [smem:$0x3FAC]  }
0x2a: {  	p0 =	seq.s32 s5, $0x0;
	s5 =	sld [smem:$0x3FAD]  }
0x2b: {  	s6 =	sld [smem:$0x3FAE]  }
0x2c: {  	s7 =	sld [smem:$0x3FAF]  }
0x2d: {  	s3 =	simm.s32 $0x108;
	s8 =	sld [smem:$0x3FB0]  }
0x2e: {  	s3 =	simm.s32 @!p0 $0x1082;
	s9 =	sld [smem:$0x3FB1]  }
0x2f: {  	lr =	sadd.s32 s0, s3;
	s0 =	sld [smem:$0x3FA8]  }
0x30: {  	s3 =	sld [smem:$0x3FAB]  }
0x31: {  	[smem:$0x3FB4] =	sst s10  }
0x32: {  	s10 =	sld [smem:$0x3FB2];
	_ =	sdelay $0x3  }
0x33: {  	p0 =	seq.s32 s10, $0x1;
	s10 =	sld [smem:$0x3FB4];
	_ =	sdelay $0x3  }
0x34: {  	[smem:$0x3FB4] =	sst s10  }
0x35: {  	s10 =	sld [smem:$0x3FB3];
	_ =	sdelay $0x3  }
0x36: {  	p1 =	seq.s32 s10, $0x1;
	s10 =	sld [smem:$0x3FB4];
	_ =	sdelay $0x3  }
0x37: {  	[smem:$0x3FB4] =	sst s10  }
0x38: {  	s10 =	sld [smem:$0x3FB5]  }
0x39: {  	_ = 	snop;
	(pc) =	sbr.ind lr, $3  }
0x3a: {  	_ = 	snop  }
0x3b: {  	_ = 	snop  }
0x3c: {  	p2 =	seq.s32 s10, $0x1;
	s10 =	sld [smem:$0x3FB4]  }
0x3d: {  	_ =	shalt  }
0x3e: {  	_ =	shalt  }
0x3f: {  	_ =	shalt  }
0x40: {  	_ =	shalt  }
0x41: {  	_ =	shalt  }
0x42: {  	_ =	shalt  }
0x43: {  	_ =	shalt  }
0x44: {  	_ =	shalt  }
0x45: {  	_ =	shalt  }
0x46: {  	_ =	shalt  }
0x47: {  	_ =	shalt  }
0x48: {  	_ =	shalt  }
0x49: {  	_ =	shalt  }
0x4a: {  	_ =	shalt  }
0x4b: {  	_ =	shalt  }
0x4c: {  	_ =	shalt  }
0x4d: {  	_ =	shalt  }
0x4e: {  	_ =	shalt  }
0x4f: {  	_ =	shalt  }
0x50: {  	_ =	shalt  }
0x51: {  	_ =	shalt  }
0x52: {  	_ =	shalt  }
0x53: {  	_ =	shalt  }
0x54: {  	_ =	shalt  }
0x55: {  	_ =	shalt  }
0x56: {  	_ =	shalt  }
0x57: {  	_ =	shalt  }
0x58: {  	_ =	shalt  }
0x59: {  	_ =	shalt  }
0x5a: {  	_ =	shalt  }
0x5b: {  	_ =	shalt  }
0x5c: {  	_ =	shalt  }
0x5d: {  	_ =	shalt  }
0x5e: {  	_ =	shalt  }
0x5f: {  	_ =	shalt  }
0x60: {  	_ =	shalt  }
0x61: {  	_ =	shalt  }
0x62: {  	_ =	shalt  }
0x63: {  	_ =	shalt  }
0x64: {  	_ =	shalt  }
0x65: {  	_ =	shalt  }
0x66: {  	_ =	shalt  }
0x67: {  	_ =	shalt  }
0x68: {  	_ =	shalt  }
0x69: {  	_ =	shalt  }
0x6a: {  	_ =	shalt  }
0x6b: {  	_ =	shalt  }
0x6c: {  	_ =	shalt  }
0x6d: {  	_ =	shalt  }
0x6e: {  	_ =	shalt  }
0x6f: {  	_ =	shalt  }
0x70: {  	_ =	shalt  }
0x71: {  	_ =	shalt  }
0x72: {  	_ =	shalt  }
0x73: {  	_ =	shalt  }
0x74: {  	_ =	shalt  }
0x75: {  	_ =	shalt  }
0x76: {  	_ =	shalt  }
0x77: {  	_ =	shalt  }
0x78: {  	_ =	shalt  }
0x79: {  	_ =	shalt  }
0x7a: {  	_ =	shalt  }
0x7b: {  	_ =	shalt  }
0x7c: {  	_ =	shalt  }
0x7d: {  	_ =	shalt  }
0x7e: {  	_ =	shalt  }
0x7f: {  	_ =	shalt  }
0x80: {  	_ =	shalt  }
0x81: {  	_ =	shalt  }
0x82: {  	_ =	shalt  }
0x83: {  	_ =	shalt  }
0x84: {  	_ =	shalt  }
0x85: {  	_ =	shalt  }
0x86: {  	_ =	shalt  }
0x87: {  	_ =	shalt  }
.Lfunc_end0:
.L_simem_size_0:
called_computation_lowered:
.L_overlay_start_0:
0x88: {  	s2 =	sld [smem:$0x3FD9]  }
0x89: {  	s3 =	sld [smem:$0x3FFE];
	_ =	sdelay $0x1  }
0x8a: {  	s1 =	srdreg.scid  }
0x8b: {  	s0 =	sand.u32 $0x1, s1  }
0x8c: {  	s16 =	sshll.u32 s0, $0xA;
	s2 =	sadd.s32 s3, s2  }
0x8d: {  	s2 =	sadd.s32 s2, s16  }
0x8e: {  	[smem:$0x3FC0] =	sst s2  }
0x8f: {  	_ = 	snop  }
0x90: {  	(tm) =	ssettm $0x1  }
0x91: {  	s17 =	sld [smem:$0x3FFB];
	_ =	sdelay $0x3  }
0x92: {  	_ =	strace s17  }
0x93: {  	s2 =	sld [smem:$0x3FFC];
	_ =	sdelay $0x3  }
0x94: {  	_ =	strace s2  }
0x95: {  	s2 =	sld [smem:$0x3FFD];
	_ =	sdelay $0x3  }
0x96: {  	_ =	strace s2  }
0x97: {  	_ =	strace $0x8FFFFFFF  }
0x98: {  	s18 =	sld [smem:$0x3FDB];
	_ =	sdelay $0x1  }
0x99: {  	s19 =	simm.s32 $_scs_section_size  }
0x9a: {  	s4 =	simm.s32 $_size__tile_overlayer_lowered;
	s5 =	simm.s32 $_tile_overlayer_lowered  }
0x9b: {  	s22 =	simm.s32 $0x1BFF;
	s21 =	sshll.u32 s5, $0x1;
	s2 =	sadd.s32 s19, s18  }
0x9c: {  	s6 =	simm.s32 $0x0;
	s20 =	sshll.u32 s4, $0x1;
	s4 =	sadd.s32 s21, s2  }
0x9d: {  	[timem:s6], [sflag:s22] =	dma.local [hbm:s4], s20  }
0x9e: {  	_ =	swait.ge [sflag:s22], s20  }
0x9f: {  	s3 =	ssub.s32 $0x0, s20;
	[sflag:s22] =	ssyncset.done $0x0  }
0xa0: {  	[sflag:s22] =	ssyncadd.s32 s3;
	_ =	sdelay $0x1  }
0xa1: {  	s23 =	simm.s32 $0x1B8B  }
0xa2: {  	_ =	swait.ge [sflag:s23], $0x1  }
0xa3: {  	[sflag:s23] =	ssyncset.done $0x0  }
0xa4: {  	s25 =	simm.s32 $0x1B8E;
	s24 =	sld [smem:$0x3FFE];
	[sflag:s23] =	ssyncadd.s32 $0xFFFFFFFF  }
0xa5: {  	s26 =	simm.s32 $execute0_lowered;
	[smem:$0x3FD2] =	sst s25  }
0xa6: {  	s4 =	sshll.u32 s26, $0x1;
	_ =	strace $0x80000046;
	[dreg:$0x1] =	wrdreg $0xFFFFFFFF  }
0xa7: {  	s28 =	simm.s32 $_size_execute0_lowered;
	s2 =	sadd.s32 s2, s4;
	[dreg:$0x0] =	wrdreg $0x0  }
0xa8: {  	s4 =	sshll.u32 s28, $0x1;
	[dreg:$0x2] =	wrdreg s2  }
0xa9: {  	[dreg:$0x3] =	wrdreg s4  }
0xaa: {  	[dreg:$0x4] =	wrdreg $0xC0  }
0xab: {  	_ =	task [dreg:s6], $0x5FFFF  }
0xac: {  	[dreg:$0x1] =	wrdreg $0xFFFFFFFF  }
0xad: {  	[dreg:$0x0] =	wrdreg $0x60  }
0xae: {  	[dreg:$0x2] =	wrdreg s24  }
0xaf: {  	[dreg:$0x3] =	wrdreg $0x1800  }
0xb0: {  	[dreg:$0x4] =	wrdreg $0x9  }
0xb1: {  	_ =	task.clear_ibuf [dreg:s6], $0x5FFFF;
	_ =	strace $0x90000046  }
0xb2: {  	s29 =	simm.s32 $0x9;
	_ =	strace $0x80000048  }
0xb3: {  	_ =	swait.ge [sflag:s29], $0x1  }
0xb4: {  	[sflag:s29] =	ssyncadd.s32 $0xFFFFFFFF  }
0xb5: {  	_ =	strace $0x90000048  }
0xb6: {  	_ =	sfence  }
0xb7: {  	s30 =	sld [smem:$0x0];
	_ =	sdelay $0x2  }
0xb8: {  	s31 =	sshll.u32 s1, $0xD;
	s1 =	sshrl.u32 s1, $0x2  }
0xb9: {  	s3 =	sand.u32 $0x4000, s31;
	s1 =	sadd.s32 s1, s30  }
0xba: {  	s0 =	sor.u32 s3, s0;
	s1 =	sshll.u32 s1, $0x11  }
0xbb: {  	s0 =	sor.u32 s1, s0  }
0xbc: {  	s0 =	sadd.s32 $0x8F2B, s0  }
0xbd: {  	[sflag:s0] =	ssyncadd.remote.s32 $0x1  }
0xbe: {  	_ =	sfence.sel $0xFFFF  }
0xbf: {  	[dreg:$0x0] =	wrdreg $0xFFFFFFFF;
	(pc) =	sbr.abs _section_cstart, $3  }
0xc0: {  	[dreg:$0x1] =	wrdreg $0xFFFFFFFF  }
0xc1: {  	_ =	task.clear_ibuf [dreg:s6], $0x2FFFF;
	_ =	strace $0x9FFFFFFF  }
0xc2: {  	(tm) =	ssettm $0x7FFFFFFF  }
0xc3: {  	_ =	shalt  }
tec
execute0_lowered:
.L_overlay_start_1:
0x0: {  	(tag) =	ssettag $0x1  }
0x1: {  	s1 =	srdreg.scid  }
0x2: {  	s0 =	stileid.u32;
	s4 =	rddreg [dreg:$0x0]  }
0x3: {  	s2 =	rddreg [dreg:$0x1];
	s3 =	simm.s32 $0x0;
	s13 =	simm.s32 $0x1  }
0x4: {  	s14 =	simm.s32 $0x80;
	s17 =	simm.s32 $0x0;
	s6 =	smul.u32 $0x280, s0  }
0x5: {  	s5 =	sand.u32 $0x1, s1;
	s1 =	rddreg [dreg:$0x2];
	s12 =	smul.u32 $0x4F0, s0  }
0x6: {  	[smem:$0x7FF] =	sst s3;
	s15 =	sshll.u32 s0, $0x6;
	s7 =	smul.u32 $0x2800, s5  }
0x7: {  	s8 =	smul.u32 $0x4F00, s5;
	_ =	strace $0x80000047;
	s5 =	ssub.s32 $0x2, s5  }
0x8: {  	s15 =	sor.u32 $0x1C01, s15;
	s31 =	sshrl.u32 s5, $0x1;
	s7 =	sadd.s32 s6, s7  }
0x9: {  	s10 =	sadd.s32 s8, s4;
	s11 =	ssub.s32 s5, s31;
	s7 =	sshrl.u32 s7, $0x3  }
0xa: {  	s12 =	sadd.s32 s12, s10;
	s10 =	smax.u32 s11, $0x1;
	s9 =	sadd.s32 s7, s4  }
0xb: {  	s4 =	sadd.s32 s6, s2;
	s11 =	sadd.s32 $0x1E00, s12;
	s12 =	simm.s32 $0x100  }
0xc: {  	s5 =	sadd.s32 $0x80, s4;
	s6 =	sadd.s32 $0x100, s4;
	s7 =	sadd.s32 $0x180, s4  }
0xd: {  	v0 =	vimm.f32 $1.000000000e+00;
	v1 =	vimm.f32 $0.0e+00;
	s8 =	sadd.s32 $0x200, s4;
	s9 =	sadd.s32 $0xBC00, s9;
	s16 =	sshrl.u32 s4, $0x3  }
.LBB2_1:
0xe: {  	[tilespmem:$0x80] =	vst v0  }
0xf: {  	[tilespmem:$0x100] =	vst v1  }
0x10: {  	[tilespmem:$0x90] =	vst v0  }
0x11: {  	[tilespmem:$0x110] =	vst v1  }
0x12: {  	[tilespmem:$0xA0] =	vst v0  }
0x13: {  	[tilespmem:$0x120] =	vst v1  }
0x14: {  	[tilespmem:$0xB0] =	vst v0  }
0x15: {  	[tilespmem:$0x130] =	vst v1  }
0x16: {  	[tilespmem:$0xC0] =	vst v0  }
0x17: {  	[tilespmem:$0x140] =	vst v1  }
0x18: {  	[tilespmem:$0xD0] =	vst v0  }
0x19: {  	[tilespmem:$0x150] =	vst v1  }
0x1a: {  	[tilespmem:$0xE0] =	vst v0  }
0x1b: {  	[tilespmem:$0x160] =	vst v1  }
0x1c: {  	[tilespmem:$0xF0] =	vst v0  }
0x1d: {  	[tilespmem:$0x170] =	vst v1  }
0x1e: {  	[spmem:s4] =	stream.linear.scatter [tilespmem:s12], [sflag:$0x1], $0x80, $0x38;
	[tilespmem:$0x400] =	vst v63  }
0x1f: {  	_ =	swait.ge [sflag:s13], $0x80  }
0x20: {  	[sflag:s13] =	ssyncset.done $0x0  }
0x21: {  	[sflag:s13] =	ssyncadd.s32 $0xFFFFFF80  }
0x22: {  	[spmem:s5] =	stream.linear.scatter [tilespmem:s12], [sflag:$0x1], $0x80, $0x38;
	[tilespmem:$0x400] =	vst v63  }
0x23: {  	_ =	swait.ge [sflag:s13], $0x80  }
0x24: {  	[sflag:s13] =	ssyncset.done $0x0  }
0x25: {  	[sflag:s13] =	ssyncadd.s32 $0xFFFFFF80  }
0x26: {  	[spmem:s6] =	stream.linear.scatter [tilespmem:s12], [sflag:$0x1], $0x80, $0x38;
	[tilespmem:$0x400] =	vst v63  }
0x27: {  	_ =	swait.ge [sflag:s13], $0x80  }
0x28: {  	[sflag:s13] =	ssyncset.done $0x0  }
0x29: {  	[sflag:s13] =	ssyncadd.s32 $0xFFFFFF80  }
0x2a: {  	[spmem:s7] =	stream.linear.scatter [tilespmem:s12], [sflag:$0x1], $0x80, $0x38;
	[tilespmem:$0x400] =	vst v63  }
0x2b: {  	_ =	swait.ge [sflag:s13], $0x80  }
0x2c: {  	[sflag:s13] =	ssyncset.done $0x0  }
0x2d: {  	[sflag:s13] =	ssyncadd.s32 $0xFFFFFF80  }
0x2e: {  	[spmem:s8] =	stream.linear.scatter [tilespmem:s12], [sflag:$0x1], $0x80, $0x38;
	[tilespmem:$0x400] =	vst v63  }
0x2f: {  	_ =	swait.ge [sflag:s13], $0x80  }
0x30: {  	[sflag:s13] =	ssyncset.done $0x0  }
0x31: {  	[sflag:s13] =	ssyncadd.s32 $0xFFFFFF80  }
0x32: {  	s18 =	sadd.s32 $0x0, s11;
	[bflag:$0x0] =	sbarrier.arrive $0xFFFF  }
0x33: {  	[tilespmem:s3], [sflag:$0x1] =	stream.linear.gather [hbm4b:s18+s3], $0x80, $0x38;
	[tilespmem:$0x400] =	vst v63  }
0x34: {  	_ =	swait.ge [sflag:s13], $0x80  }
0x35: {  	[sflag:s13] =	ssyncset.done $0x0  }
0x36: {  	[sflag:s13] =	ssyncadd.s32 $0xFFFFFF80  }
0x37: {  	[spmem:s2] =	stream.indirect.scatter.add.f32 [tilespmem:s14], [sflag:$0x1], $0x1, s3, s14, $0xb8;
	[tilespmem:$0x400] =	vst v63  }
0x38: {  	_ =	swait.ge [sflag:s13], $0x80  }
0x39: {  	s19 =	simm.s32 $0x20;
	s18 =	simm.s32 $0x10;
	[sflag:s13] =	ssyncset.done $0x0  }
.LBB2_2:
0x3a: {  	s20 =	sadd.s32 s18, s11  }
0x3b: {  	[sflag:s13] =	ssyncadd.s32 $0xFFFFFF80;
	s18 =	smov.u32 s19;
	s21 =	sadd.s32 $0x10, s19  }
0x3c: {  	[tilespmem:s3], [sflag:$0x1] =	stream.linear.gather [hbm4b:s20+s3], $0x80, $0x38;
	[tilespmem:$0x400] =	vst v63  }
0x3d: {  	p0 =	sne.s32 s19, $0x4E0;
	_ =	swait.ge [sflag:s13], $0x80  }
.Ltmp0:
0x3e: {  	[sflag:s13] =	ssyncset.done $0x0;
	(pc) =	sbr.rel @p0 .LBB2_2-.Ltmp0, $4  }
0x3f: {  	[sflag:s13] =	ssyncadd.s32 $0xFFFFFF80  }
0x40: {  	[spmem:s2] =	stream.indirect.scatter.add.f32 [tilespmem:s14], [sflag:$0x1], $0x1, s3, s14, $0xb8;
	[tilespmem:$0x400] =	vst v63  }
0x41: {  	_ =	swait.ge [sflag:s13], $0x80  }
0x42: {  	s19 =	smov.u32 s21;
	[sflag:s13] =	ssyncset.done $0x0  }
0x43: {  	s18 =	sadd.s32 s18, s11;
	[sflag:s13] =	ssyncadd.s32 $0xFFFFFF80  }
0x44: {  	[tilespmem:s3], [sflag:$0x1] =	stream.linear.gather [hbm4b:s18+s3], $0x80, $0x38;
	[tilespmem:$0x400] =	vst v63  }
0x45: {  	_ =	swait.ge [sflag:s13], $0x80  }
0x46: {  	[sflag:s13] =	ssyncset.done $0x0  }
0x47: {  	[sflag:s13] =	ssyncadd.s32 $0xFFFFFF80  }
0x48: {  	[spmem:s2] =	stream.indirect.scatter.add.f32 [tilespmem:s14], [sflag:$0x1], $0x1, s3, s14, $0xb8;
	[tilespmem:$0x400] =	vst v63  }
0x49: {  	_ =	swait.ge [sflag:s13], $0x80  }
0x4a: {  	s17 =	sadd.s32 $0x1, s17;
	[sflag:s13] =	ssyncset.done $0x0  }
0x4b: {  	p0 =	sne.s32 s17, s10;
	[sflag:s13] =	ssyncadd.s32 $0xFFFFFF80  }
.Ltmp1:
0x4c: {  	[bflag:$0x0] =	sbarrier.arrive $0xFFFF;
	(pc) =	sbr.rel @p0 .LBB2_1-.Ltmp1, $4  }
0x4d: {  	[hbm:s9], [sflag:s15] =	dma.local [spmem:s16], $0x50  }
0x4e: {  	_ =	swait.ge [sflag:s13], $0x50  }
0x4f: {  	[sflag:s13] =	ssyncset.done $0x0  }
0x50: {  	[sflag:s13] =	ssyncadd.s32 $0xFFFFFFB0  }
0x51: {  	_ =	sfence.sel $0x180000  }
0x52: {  	[bflag:$0x0] =	sbarrier.arrive $0xFFFF  }
0x53: {  	p0 =	sne.s32 s0, $0x0;
	_ =	strace $0x90000047  }
0x54: {  	s0 =	sadd.s32 @!p0 $0x100000, s1;
	[bflag:$0x2] =	sbarrier.arrive $0xFFFF  }
0x55: {  	[sflag:s0] =	ssyncadd.tile.s32 @!p0 $0x1;
	_ =	shalt  }
.Lfunc_end2:
_tile_overlayer_lowered:
.L_overlay_start_2:
0x56: {  	(tag) =	ssettag $0x2  }
0x57: {  	s0 =	rddreg [dreg:$0x0];
	s2 =	stileid.u32  }
0x58: {  	s1 =	rddreg [dreg:$0x1];
	p0 =	sne.s32 s2, $0x0  }
0x59: {  	s3 =	rddreg [dreg:$0x2];
	[bflag:$0x3] =	sbarrier.arrive $0xFFFF;
	s2 =	simm.s32 @!p0 $0x1C01  }
0x5a: {  	[timem:s3], [sflag:s2] =	dma.local @!p0 [hbm:s0], s1  }
0x5b: {  	s0 =	simm.s32 @!p0 $0x1  }
0x5c: {  	_ =	swait.ge @!p0 [sflag:s0], s1  }
0x5d: {  	s1 =	ssub.s32 @!p0 $0x0, s1;
	[sflag:s0] =	ssyncset.done @!p0 $0x0  }
0x5e: {  	[sflag:s0] =	ssyncadd.s32 @!p0 s1  }
0x5f: {  	[bflag:$0x3] =	sbarrier.arrive $0xFFFF  }
0x60: {  	_ =	shalt  }

</sc_bundles>
